<compile_context>
chip_gen: v7x
topology: tpu7x:2x2x1
jax: 0.10.2.dev20260603
libtpu: 0.0.44.dev20260713+nightly
codegen_flags: <defaults>
</compile_context>

<pallas_src>
import functools

import jax
import jax.numpy as jnp
from jax import lax
from jax.experimental import pallas as pl
from jax.experimental.pallas import tpu as pltpu
from jax.experimental.pallas import tpu_sc as plsc

N = 10000
E = 320000
D = 128
HID = 64

NC = 2
NS = 16
NW = NC * NS
CH = 128
NCHUNK = E // CH
KBASE = NCHUNK // NW
KREM = NCHUNK - NW * KBASE
KMAX = KBASE + 1
AGG_ROWS = 10240
ROWS_PER_TILE = AGG_ROWS // NS
NBUF = 8
PD = 6
NROUND = -(-KMAX // NBUF)


_hp = functools.partial(jnp.dot, preferred_element_type=jnp.float32)
_hpt = functools.partial(lax.dot_general,
                         dimension_numbers=(((1,), (1,)), ((), ())),
                         preferred_element_type=jnp.float32)


def _mlp(x, w1t, b1, w2, b2, w3, b3):
    h = jnp.maximum(_hpt(x, w1t[...]) + b1[...], 0.0)
    h = jnp.maximum(_hp(h, w2[...]) + b2[...], 0.0)
    return _hp(h, w3[...]) + b3[...]


def _dense_a1_body(x_ref, w1t, b1, w2, b2, w3, b3, wlt, g_ref):
    x = x_ref[...]
    h = _mlp(x, w1t, b1, w2, b2, w3, b3)
    g = _hpt(h, wlt[...])
    g_ref[...] = jnp.concatenate([g, jnp.zeros_like(g)], axis=1)


def _dense_a2_body(x_ref, w1t, b1, w2, b2, w3, b3, w0t, wxt, bd, d_ref):
    x = x_ref[...]
    h = _mlp(x, w1t, b1, w2, b2, w3, b3)
    d_ref[...] = _hpt(h, w0t[...]) + _hpt(x, wxt[...]) + bd[...]


def _final_body(p_ref, d_ref, o_ref):
    p = p_ref[:, :HID] + p_ref[:, HID:]
    o_ref[...] = jnp.maximum(p + d_ref[...], 0.0).T


def _sc_scatter_body(g_hbm, idx_hbm, out_hbm,
                     eb, rows_v, agg_sh, gsem, ssem):
    cid = lax.axis_index("c")
    sid = lax.axis_index("s")
    wid = cid * NS + sid
    kw = KBASE + jnp.where(wid >= NW - KREM, 1, 0)
    start = KBASE * wid + jnp.maximum(wid - (NW - KREM), 0)

    zero16 = jnp.zeros((16,), jnp.float32)

    def zbody(i, c):
        for j in range(HID // 16):
            rows_v[0, i, pl.ds(j * 16, 16)] = zero16
        return c

    lax.fori_loop(0, CH, zbody, 0)
    base = sid * ROWS_PER_TILE
    for t in range(ROWS_PER_TILE // CH):
        pltpu.sync_copy(rows_v.at[0], agg_sh.at[pl.ds(base + t * CH, CH)])

    pltpu.sync_copy(idx_hbm.at[0, pl.ds(start, KMAX)], eb.at[pl.ds(0, KMAX)])
    pltpu.sync_copy(idx_hbm.at[1, pl.ds(start, KMAX)],
                    eb.at[pl.ds(KMAX, KMAX)])

    def dbl(r, c):
        for q in range(CH // 16):
            v = eb[KMAX + r, pl.ds(q * 16, 16)]
            eb[KMAX + r, pl.ds(q * 16, 16)] = v + v
        return c

    lax.fori_loop(0, KMAX, dbl, 0)
    plsc.subcore_barrier()

    def gather(j, bj):
        return pltpu.async_copy(g_hbm.at[eb.at[KMAX + j]], rows_v.at[bj],
                                gsem.at[bj])

    def scatter(i, b):
        return pltpu.async_copy(rows_v.at[b], agg_sh.at[eb.at[i]],
                                ssem.at[b], add=True)

    for b in range(PD):
        gather(b, b)

    def round_body(g, c):
        for b in range(NBUF):
            i = g * NBUF + b
            j = i + PD
            bj = (b + PD) % NBUF

            @pl.when(i < kw)
            def _():
                pltpu.make_async_copy(g_hbm.at[eb.at[KMAX + i]],
                                      rows_v.at[b], gsem.at[b]).wait()
                scatter(i, b)

            @pl.when(jnp.logical_and(j >= NBUF, j < kw))
            def _():
                pltpu.make_async_copy(rows_v.at[bj], agg_sh.at[eb.at[0]],
                                      ssem.at[bj]).wait()

            @pl.when(j < kw)
            def _():
                gather(j, bj)
        return c

    lax.fori_loop(0, NROUND, round_body, 0)
    for b in range(NBUF):
        pltpu.make_async_copy(rows_v.at[b], agg_sh.at[eb.at[0]],
                              ssem.at[b]).wait()
    plsc.subcore_barrier()

    pltpu.sync_copy(agg_sh.at[pl.ds(base, ROWS_PER_TILE)],
                    out_hbm.at[pl.ds(base, ROWS_PER_TILE),
                               pl.ds(cid * HID, HID)])


_sc_scatter = pl.kernel(
    _sc_scatter_body,
    out_type=jax.ShapeDtypeStruct((AGG_ROWS, 2 * HID), jnp.float32),
    mesh=plsc.VectorSubcoreMesh(core_axis_name="c", subcore_axis_name="s"),
    scratch_types=[
        pltpu.VMEM((2 * KMAX, CH), jnp.int32),
        pltpu.VMEM((NBUF, CH, HID), jnp.float32),
        pltpu.VMEM_SHARED((AGG_ROWS, HID), jnp.float32),
        pltpu.SemaphoreType.DMA((NBUF,)),
        pltpu.SemaphoreType.DMA((NBUF,)),
    ],
    compiler_params=pltpu.CompilerParams(use_tc_tiling_on_sc=False),
)


def kernel(x, edge_index, edge_type, W1, b1, W2, b2, W3, b3,
           Wl, bl, W0, b0, Wx, bx):
    BR = 2000
    grid = (N // BR,)
    full = lambda shape: pl.BlockSpec(shape, lambda i: (0,) * len(shape))
    bd = (bl + b0 + bx).reshape(1, HID)

    g128 = pl.pallas_call(
        _dense_a1_body,
        grid=grid,
        in_specs=[
            pl.BlockSpec((BR, D), lambda i: (i, 0)),
            full((HID, D)), full((1, HID)),
            full((HID, HID)), full((1, HID)),
            full((HID, D)), full((1, D)),
            full((HID, D)),
        ],
        out_specs=pl.BlockSpec((BR, 2 * HID), lambda i: (i, 0)),
        out_shape=jax.ShapeDtypeStruct((N, 2 * HID), jnp.float32),
    )(x, W1.T, b1.reshape(1, HID), W2, b2.reshape(1, HID),
      W3, b3.reshape(1, D), Wl.T)

    partials = _sc_scatter(g128.reshape(2 * N, HID),
                           edge_index[1].reshape(2, NCHUNK, CH))

    d = pl.pallas_call(
        _dense_a2_body,
        grid=grid,
        in_specs=[
            pl.BlockSpec((BR, D), lambda i: (i, 0)),
            full((HID, D)), full((1, HID)),
            full((HID, HID)), full((1, HID)),
            full((HID, D)), full((1, D)),
            full((HID, D)), full((HID, D)), full((1, HID)),
        ],
        out_specs=pl.BlockSpec((BR, HID), lambda i: (i, 0)),
        out_shape=jax.ShapeDtypeStruct((N, HID), jnp.float32),
    )(x, W1.T, b1.reshape(1, HID), W2, b2.reshape(1, HID),
      W3, b3.reshape(1, D), W0.T, Wx.T, bd)

    out_t = pl.pallas_call(
        _final_body,
        grid=(1,),
        in_specs=[
            pl.BlockSpec((N, 2 * HID), lambda i: (0, 0)),
            pl.BlockSpec((N, HID), lambda i: (0, 0)),
        ],
        out_specs=pl.BlockSpec((HID, N), lambda i: (0, 0)),
        out_shape=jax.ShapeDtypeStruct((HID, N), jnp.float32),
    )(partials, d)
    return out_t.T

# --- scband reference (transcript-rebuilt; emitter-appended) ---
"""Pipeline reference for scband-meta-path-gnn-20160576487476 (READ-ONLY COPY).

The authoritative reference and input builder live on the scoring server;
editing this copy changes nothing except your own understanding.
"""

import jax, jax.numpy as jnp
import numpy as np

N, E, R, D, HID = 10000, 320000, 2, 128, 64
H2 = HID * 2  # 128, equals D by construction

def _init_linear(key, fan_in, fan_out):
    k1, k2 = jax.random.split(key)
    bound = 1.0 / np.sqrt(fan_in)
    W = jax.random.uniform(k1, (fan_in, fan_out), minval=-bound, maxval=bound, dtype=jnp.float32)
    b = jax.random.uniform(k2, (fan_out,), minval=-bound, maxval=bound, dtype=jnp.float32)
    return W, b

def setup_inputs(seed: int = 0) -> dict:
    key = jax.random.key(seed)
    ks = jax.random.split(key, 10)
    x = jax.random.normal(ks[0], (N, D), dtype=jnp.float32)
    edge_index = jax.random.randint(ks[1], (R, 2, E), 0, N, dtype=jnp.int32)
    edge_type = jax.random.randint(ks[2], (E,), 0, R, dtype=jnp.int32)
    # input MLP: D -> HID -> HID -> HID*2 (num_layers=3)
    W1, b1 = _init_linear(ks[3], D, HID)
    W2, b2 = _init_linear(ks[4], HID, HID)
    W3, b3 = _init_linear(ks[5], HID, H2)
    # MetaPathGNNLayer (layer 0): in_channels=HID*2, out_channels=HID
    Wl, bl = _init_linear(ks[6], H2, HID)
    W0, b0 = _init_linear(ks[7], H2, HID)
    Wx, bx = _init_linear(ks[8], H2, HID)  # applied to x (D == H2)
    return {"x": x, "edge_index": edge_index, "edge_type": edge_type,
            "W1": W1, "b1": b1, "W2": W2, "b2": b2, "W3": W3, "b3": b3,
            "Wl": Wl, "bl": bl, "W0": W0, "b0": b0, "Wx": Wx, "bx": bx}

def reference(x, edge_index, edge_type, W1, b1, W2, b2, W3, b3, Wl, bl, W0, b0, Wx, bx):
    # input_mlp (plain 3-layer MLP, eval mode)
    h = jnp.maximum(x @ W1 + b1, 0.0)
    h = jnp.maximum(h @ W2 + b2, 0.0)
    h = h @ W3 + b3  # [N, HID*2]
    # MetaPathGNNLayer with relation_index=1
    ei = edge_index[1]  # [2, E]
    row, col = ei[0], ei[1]
    agg = jnp.zeros_like(h).at[row].add(h[col])  # index_add_ scatter-add
    out = (agg @ Wl + bl) + (h @ W0 + b0) + (x @ Wx + bx)
    # ReLU; dropout is identity in eval mode
    return jnp.maximum(out, 0.0)

if __name__ == "__main__":
    import jax
    _d = setup_inputs()
    print(jax.jit(kernel)(*tuple(_d.values())))

</pallas_src>

<mosaic_0001>
#map = affine_map<(d0, d1) -> (0, 0)>
#map1 = affine_map<(d0, d1) -> (0, 0, 0)>
module attributes {stable_mosaic.version = 14 : i64} {
  func.func @_sc_scatter_body(%arg0: i32, %arg1: i32, %arg2: memref<20000x64xf32, #tpu.memory_space<hbm>>, %arg3: memref<2x2500x128xi32, #tpu.memory_space<hbm>>, %arg4: memref<10240x128xf32, #tpu.memory_space<hbm>>, %arg5: memref<158x128xi32, #tpu.memory_space<vmem>>, %arg6: memref<8x128x64xf32, #tpu.memory_space<vmem>>, %arg7: memref<10240x64xf32, #tpu.memory_space<vmem_shared>>, %arg8: memref<8x!tpu.dma_semaphore, #tpu.memory_space<semaphore_mem>>, %arg9: memref<8x!tpu.dma_semaphore, #tpu.memory_space<semaphore_mem>>) attributes {dimension_semantics = [#tpu.dimension_semantics<core_parallel>, #tpu.dimension_semantics<subcore_parallel>], iteration_bounds = array<i64: 2, 16>, scalar_prefetch = 0 : i64, scratch_operands = 5 : i64, tpu.core_type = #tpu.core_type<sc_vector_subcore>, window_params = [{transform_indices = #map}, {transform_indices = #map1}, {transform_indices = #map}]} {
    %mul3A = arith.constant 16 : i32
    %mul3A_0 = arith.muli %arg0, %mul3A : i32
    %add3A = arith.addi %mul3A_0, %arg1 : i32
    %ge3A = arith.constant 28 : i32
    %ge3A_1 = arith.cmpi sge, %add3A, %ge3A : i32
    %jit3A = arith.constant 1 : i32
    %jit3A_2 = arith.constant 0 : i32
    %select_n3A = arith.select %ge3A_1, %jit3A, %jit3A_2 : i32
    %add3A_3 = arith.constant 78 : i32
    %add3A_4 = arith.addi %add3A_3, %select_n3A : i32
    %mul3A_5 = arith.constant 78 : i32
    %mul3A_6 = arith.muli %mul3A_5, %add3A : i32
    %sub3A = arith.constant 28 : i32
    %sub3A_7 = arith.subi %add3A, %sub3A : i32
    %max3A = arith.constant 0 : i32
    %max3A_8 = arith.maxsi %sub3A_7, %max3A : i32
    %add3A_9 = arith.addi %mul3A_6, %max3A_8 : i32
    %broadcast_in_dim3A = arith.constant 0.000000e+00 : f32
    %broadcast_in_dim3A_10 = vector.broadcast %broadcast_in_dim3A : f32 to vector<16xf32>
    %scan3A = arith.constant 0 : i32
    %scan3A_11 = arith.constant 0 : i32
    %scan3A_12 = arith.constant 128 : i32
    %scan3A_13 = arith.addi %scan3A_11, %scan3A_12 : i32
    %scan3A_14 = arith.constant 1 : i32
    scf.for %scan3A_257 = %scan3A_11 to %scan3A_13 step %scan3A_14  : i32 {
      %swap3A = arith.constant 0 : i32
      %swap3A_258 = arith.index_cast %swap3A : i32 to index
      %swap3A_259 = arith.index_cast %scan3A_257 : i32 to index
      %swap3A_260 = arith.constant 0 : index
      %swap3A_261 = tpu.vector_load %arg6[%swap3A_258, %swap3A_259, %swap3A_260] {strides = array<i32>} : memref<8x128x64xf32, #tpu.memory_space<vmem>>, vector<1x1x16xf32>,
      %swap3A_262 = vector.shape_cast %swap3A_261 : vector<1x1x16xf32> to vector<16xf32>
      %swap3A_263 = vector.shape_cast %broadcast_in_dim3A_10 : vector<16xf32> to vector<1x1x16xf32>
      tpu.vector_store %arg6[%swap3A_258, %swap3A_259, %swap3A_260], %swap3A_263 {strides = array<i32>} : memref<8x128x64xf32, #tpu.memory_space<vmem>>, vector<1x1x16xf32>,
      %swap3A_264 = arith.constant 0 : i32
      %swap3A_265 = arith.index_cast %swap3A_264 : i32 to index
      %swap3A_266 = arith.index_cast %scan3A_257 : i32 to index
      %swap3A_267 = arith.constant 16 : index
      %swap3A_268 = tpu.vector_load %arg6[%swap3A_265, %swap3A_266, %swap3A_267] {strides = array<i32>} : memref<8x128x64xf32, #tpu.memory_space<vmem>>, vector<1x1x16xf32>,
      %swap3A_269 = vector.shape_cast %swap3A_268 : vector<1x1x16xf32> to vector<16xf32>
      %swap3A_270 = vector.shape_cast %broadcast_in_dim3A_10 : vector<16xf32> to vector<1x1x16xf32>
      tpu.vector_store %arg6[%swap3A_265, %swap3A_266, %swap3A_267], %swap3A_270 {strides = array<i32>} : memref<8x128x64xf32, #tpu.memory_space<vmem>>, vector<1x1x16xf32>,
      %swap3A_271 = arith.constant 0 : i32
      %swap3A_272 = arith.index_cast %swap3A_271 : i32 to index
      %swap3A_273 = arith.index_cast %scan3A_257 : i32 to index
      %swap3A_274 = arith.constant 32 : index
      %swap3A_275 = tpu.vector_load %arg6[%swap3A_272, %swap3A_273, %swap3A_274] {strides = array<i32>} : memref<8x128x64xf32, #tpu.memory_space<vmem>>, vector<1x1x16xf32>,
      %swap3A_276 = vector.shape_cast %swap3A_275 : vector<1x1x16xf32> to vector<16xf32>
      %swap3A_277 = vector.shape_cast %broadcast_in_dim3A_10 : vector<16xf32> to vector<1x1x16xf32>
      tpu.vector_store %arg6[%swap3A_272, %swap3A_273, %swap3A_274], %swap3A_277 {strides = array<i32>} : memref<8x128x64xf32, #tpu.memory_space<vmem>>, vector<1x1x16xf32>,
      %swap3A_278 = arith.constant 0 : i32
      %swap3A_279 = arith.index_cast %swap3A_278 : i32 to index
      %swap3A_280 = arith.index_cast %scan3A_257 : i32 to index
      %swap3A_281 = arith.constant 48 : index
      %swap3A_282 = tpu.vector_load %arg6[%swap3A_279, %swap3A_280, %swap3A_281] {strides = array<i32>} : memref<8x128x64xf32, #tpu.memory_space<vmem>>, vector<1x1x16xf32>,
      %swap3A_283 = vector.shape_cast %swap3A_282 : vector<1x1x16xf32> to vector<16xf32>
      %swap3A_284 = vector.shape_cast %broadcast_in_dim3A_10 : vector<16xf32> to vector<1x1x16xf32>
      tpu.vector_store %arg6[%swap3A_279, %swap3A_280, %swap3A_281], %swap3A_284 {strides = array<i32>} : memref<8x128x64xf32, #tpu.memory_space<vmem>>, vector<1x1x16xf32>,
    }
    %scan3A_15 = arith.constant 128 : i32
    %mul3A_16 = arith.constant 640 : i32
    %mul3A_17 = arith.muli %arg1, %mul3A_16 : i32
    %add3A_18 = arith.constant 0 : i32
    %add3A_19 = arith.addi %mul3A_17, %add3A_18 : i32
    %run_scoped3A = arith.constant 0 : i32
    "tpu.region"() ({
      %run_scoped3A_257 = tpu.sem_alloc : memref<!tpu.dma_semaphore, #tpu.memory_space<semaphore_mem>>
      %dma_start3A_258 = arith.constant 0 : i32
      %dma_start3A_259 = arith.constant 0 : i32
      %dma_start3A_260 = tpu.memref_slice %arg6[%run_scoped3A, %dma_start3A_258, %dma_start3A_259] : memref<8x128x64xf32, #tpu.memory_space<vmem>> -> memref<1x128x64xf32, #tpu.memory_space<vmem>>
      %dma_start3A_261 = tpu.memref_squeeze %dma_start3A_260 : memref<1x128x64xf32, #tpu.memory_space<vmem>> -> memref<128x64xf32, #tpu.memory_space<vmem>>
      %dma_start3A_262 = arith.constant 0 : i32
      %dma_start3A_263 = tpu.memref_slice %arg7[%add3A_19, %dma_start3A_262] : memref<10240x64xf32, #tpu.memory_space<vmem_shared>> -> memref<128x64xf32, #tpu.memory_space<vmem_shared>>
      %dma_start3A_264 = arith.constant 0 : i32
      %dma_start3A_265 = tpu.memref_slice %arg7[%add3A_19, %dma_start3A_264] : memref<10240x64xf32, #tpu.memory_space<vmem_shared>> -> memref<128x64xf32, #tpu.memory_space<vmem_shared>>
      %dma_start3A_266 = arith.constant 0 : i32
      %dma_start3A_267 = arith.constant 0 : i32
      %dma_start3A_268 = tpu.memref_slice %arg6[%run_scoped3A, %dma_start3A_266, %dma_start3A_267] : memref<8x128x64xf32, #tpu.memory_space<vmem>> -> memref<1x128x64xf32, #tpu.memory_space<vmem>>
      %dma_start3A_269 = tpu.memref_squeeze %dma_start3A_268 : memref<1x128x64xf32, #tpu.memory_space<vmem>> -> memref<128x64xf32, #tpu.memory_space<vmem>>
      tpu.enqueue_dma source(%dma_start3A_269 : memref<128x64xf32, #tpu.memory_space<vmem>>) target(%dma_start3A_265 : memref<128x64xf32, #tpu.memory_space<vmem_shared>>) target_semaphore(%run_scoped3A_257 : memref<!tpu.dma_semaphore, #tpu.memory_space<semaphore_mem>>)
      %dma_wait3A_270 = arith.constant 0 : i32
      %dma_wait3A_271 = arith.constant 0 : i32
      %dma_wait3A_272 = tpu.memref_slice %arg6[%run_scoped3A, %dma_wait3A_270, %dma_wait3A_271] : memref<8x128x64xf32, #tpu.memory_space<vmem>> -> memref<1x128x64xf32, #tpu.memory_space<vmem>>
      %dma_wait3A_273 = tpu.memref_squeeze %dma_wait3A_272 : memref<1x128x64xf32, #tpu.memory_space<vmem>> -> memref<128x64xf32, #tpu.memory_space<vmem>>
      %dma_wait3A_274 = arith.constant 0 : i32
      %dma_wait3A_275 = tpu.memref_slice %arg7[%add3A_19, %dma_wait3A_274] : memref<10240x64xf32, #tpu.memory_space<vmem_shared>> -> memref<128x64xf32, #tpu.memory_space<vmem_shared>>
      %dma_wait3A_276 = arith.constant 0 : i32
      %dma_wait3A_277 = tpu.memref_slice %arg7[%add3A_19, %dma_wait3A_276] : memref<10240x64xf32, #tpu.memory_space<vmem_shared>> -> memref<128x64xf32, #tpu.memory_space<vmem_shared>>
      %dma_wait3A_278 = arith.constant 0 : i32
      %dma_wait3A_279 = arith.constant 0 : i32
      %dma_wait3A_280 = tpu.memref_slice %arg6[%run_scoped3A, %dma_wait3A_278, %dma_wait3A_279] : memref<8x128x64xf32, #tpu.memory_space<vmem>> -> memref<1x128x64xf32, #tpu.memory_space<vmem>>
      %dma_wait3A_281 = tpu.memref_squeeze %dma_wait3A_280 : memref<1x128x64xf32, #tpu.memory_space<vmem>> -> memref<128x64xf32, #tpu.memory_space<vmem>>
      tpu.wait_dma2 semaphore(%run_scoped3A_257 : memref<!tpu.dma_semaphore, #tpu.memory_space<semaphore_mem>>) src(%dma_wait3A_281 : memref<128x64xf32, #tpu.memory_space<vmem>>) dst(%dma_wait3A_277 : memref<128x64xf32, #tpu.memory_space<vmem_shared>>)
      tpu.yield
    }) : () -> ()
    %add3A_20 = arith.constant 128 : i32
    %add3A_21 = arith.addi %mul3A_17, %add3A_20 : i32
    %run_scoped3A_22 = arith.constant 0 : i32
    "tpu.region"() ({
      %run_scoped3A_257 = tpu.sem_alloc : memref<!tpu.dma_semaphore, #tpu.memory_space<semaphore_mem>>
      %dma_start3A_258 = arith.constant 0 : i32
      %dma_start3A_259 = arith.constant 0 : i32
      %dma_start3A_260 = tpu.memref_slice %arg6[%run_scoped3A_22, %dma_start3A_258, %dma_start3A_259] : memref<8x128x64xf32, #tpu.memory_space<vmem>> -> memref<1x128x64xf32, #tpu.memory_space<vmem>>
      %dma_start3A_261 = tpu.memref_squeeze %dma_start3A_260 : memref<1x128x64xf32, #tpu.memory_space<vmem>> -> memref<128x64xf32, #tpu.memory_space<vmem>>
      %dma_start3A_262 = arith.constant 0 : i32
      %dma_start3A_263 = tpu.memref_slice %arg7[%add3A_21, %dma_start3A_262] : memref<10240x64xf32, #tpu.memory_space<vmem_shared>> -> memref<128x64xf32, #tpu.memory_space<vmem_shared>>
      %dma_start3A_264 = arith.constant 0 : i32
      %dma_start3A_265 = tpu.memref_slice %arg7[%add3A_21, %dma_start3A_264] : memref<10240x64xf32, #tpu.memory_space<vmem_shared>> -> memref<128x64xf32, #tpu.memory_space<vmem_shared>>
      %dma_start3A_266 = arith.constant 0 : i32
      %dma_start3A_267 = arith.constant 0 : i32
      %dma_start3A_268 = tpu.memref_slice %arg6[%run_scoped3A_22, %dma_start3A_266, %dma_start3A_267] : memref<8x128x64xf32, #tpu.memory_space<vmem>> -> memref<1x128x64xf32, #tpu.memory_space<vmem>>
      %dma_start3A_269 = tpu.memref_squeeze %dma_start3A_268 : memref<1x128x64xf32, #tpu.memory_space<vmem>> -> memref<128x64xf32, #tpu.memory_space<vmem>>
      tpu.enqueue_dma source(%dma_start3A_269 : memref<128x64xf32, #tpu.memory_space<vmem>>) target(%dma_start3A_265 : memref<128x64xf32, #tpu.memory_space<vmem_shared>>) target_semaphore(%run_scoped3A_257 : memref<!tpu.dma_semaphore, #tpu.memory_space<semaphore_mem>>)
      %dma_wait3A_270 = arith.constant 0 : i32
      %dma_wait3A_271 = arith.constant 0 : i32
      %dma_wait3A_272 = tpu.memref_slice %arg6[%run_scoped3A_22, %dma_wait3A_270, %dma_wait3A_271] : memref<8x128x64xf32, #tpu.memory_space<vmem>> -> memref<1x128x64xf32, #tpu.memory_space<vmem>>
      %dma_wait3A_273 = tpu.memref_squeeze %dma_wait3A_272 : memref<1x128x64xf32, #tpu.memory_space<vmem>> -> memref<128x64xf32, #tpu.memory_space<vmem>>
      %dma_wait3A_274 = arith.constant 0 : i32
      %dma_wait3A_275 = tpu.memref_slice %arg7[%add3A_21, %dma_wait3A_274] : memref<10240x64xf32, #tpu.memory_space<vmem_shared>> -> memref<128x64xf32, #tpu.memory_space<vmem_shared>>
      %dma_wait3A_276 = arith.constant 0 : i32
      %dma_wait3A_277 = tpu.memref_slice %arg7[%add3A_21, %dma_wait3A_276] : memref<10240x64xf32, #tpu.memory_space<vmem_shared>> -> memref<128x64xf32, #tpu.memory_space<vmem_shared>>
      %dma_wait3A_278 = arith.constant 0 : i32
      %dma_wait3A_279 = arith.constant 0 : i32
      %dma_wait3A_280 = tpu.memref_slice %arg6[%run_scoped3A_22, %dma_wait3A_278, %dma_wait3A_279] : memref<8x128x64xf32, #tpu.memory_space<vmem>> -> memref<1x128x64xf32, #tpu.memory_space<vmem>>
      %dma_wait3A_281 = tpu.memref_squeeze %dma_wait3A_280 : memref<1x128x64xf32, #tpu.memory_space<vmem>> -> memref<128x64xf32, #tpu.memory_space<vmem>>
      tpu.wait_dma2 semaphore(%run_scoped3A_257 : memref<!tpu.dma_semaphore, #tpu.memory_space<semaphore_mem>>) src(%dma_wait3A_281 : memref<128x64xf32, #tpu.memory_space<vmem>>) dst(%dma_wait3A_277 : memref<128x64xf32, #tpu.memory_space<vmem_shared>>)
      tpu.yield
    }) : () -> ()
    %add3A_23 = arith.constant 256 : i32
    %add3A_24 = arith.addi %mul3A_17, %add3A_23 : i32
    %run_scoped3A_25 = arith.constant 0 : i32
    "tpu.region"() ({
      %run_scoped3A_257 = tpu.sem_alloc : memref<!tpu.dma_semaphore, #tpu.memory_space<semaphore_mem>>
      %dma_start3A_258 = arith.constant 0 : i32
      %dma_start3A_259 = arith.constant 0 : i32
      %dma_start3A_260 = tpu.memref_slice %arg6[%run_scoped3A_25, %dma_start3A_258, %dma_start3A_259] : memref<8x128x64xf32, #tpu.memory_space<vmem>> -> memref<1x128x64xf32, #tpu.memory_space<vmem>>
      %dma_start3A_261 = tpu.memref_squeeze %dma_start3A_260 : memref<1x128x64xf32, #tpu.memory_space<vmem>> -> memref<128x64xf32, #tpu.memory_space<vmem>>
      %dma_start3A_262 = arith.constant 0 : i32
      %dma_start3A_263 = tpu.memref_slice %arg7[%add3A_24, %dma_start3A_262] : memref<10240x64xf32, #tpu.memory_space<vmem_shared>> -> memref<128x64xf32, #tpu.memory_space<vmem_shared>>
      %dma_start3A_264 = arith.constant 0 : i32
      %dma_start3A_265 = tpu.memref_slice %arg7[%add3A_24, %dma_start3A_264] : memref<10240x64xf32, #tpu.memory_space<vmem_shared>> -> memref<128x64xf32, #tpu.memory_space<vmem_shared>>
      %dma_start3A_266 = arith.constant 0 : i32
      %dma_start3A_267 = arith.constant 0 : i32
      %dma_start3A_268 = tpu.memref_slice %arg6[%run_scoped3A_25, %dma_start3A_266, %dma_start3A_267] : memref<8x128x64xf32, #tpu.memory_space<vmem>> -> memref<1x128x64xf32, #tpu.memory_space<vmem>>
      %dma_start3A_269 = tpu.memref_squeeze %dma_start3A_268 : memref<1x128x64xf32, #tpu.memory_space<vmem>> -> memref<128x64xf32, #tpu.memory_space<vmem>>
      tpu.enqueue_dma source(%dma_start3A_269 : memref<128x64xf32, #tpu.memory_space<vmem>>) target(%dma_start3A_265 : memref<128x64xf32, #tpu.memory_space<vmem_shared>>) target_semaphore(%run_scoped3A_257 : memref<!tpu.dma_semaphore, #tpu.memory_space<semaphore_mem>>)
      %dma_wait3A_270 = arith.constant 0 : i32
      %dma_wait3A_271 = arith.constant 0 : i32
      %dma_wait3A_272 = tpu.memref_slice %arg6[%run_scoped3A_25, %dma_wait3A_270, %dma_wait3A_271] : memref<8x128x64xf32, #tpu.memory_space<vmem>> -> memref<1x128x64xf32, #tpu.memory_space<vmem>>
      %dma_wait3A_273 = tpu.memref_squeeze %dma_wait3A_272 : memref<1x128x64xf32, #tpu.memory_space<vmem>> -> memref<128x64xf32, #tpu.memory_space<vmem>>
      %dma_wait3A_274 = arith.constant 0 : i32
      %dma_wait3A_275 = tpu.memref_slice %arg7[%add3A_24, %dma_wait3A_274] : memref<10240x64xf32, #tpu.memory_space<vmem_shared>> -> memref<128x64xf32, #tpu.memory_space<vmem_shared>>
      %dma_wait3A_276 = arith.constant 0 : i32
      %dma_wait3A_277 = tpu.memref_slice %arg7[%add3A_24, %dma_wait3A_276] : memref<10240x64xf32, #tpu.memory_space<vmem_shared>> -> memref<128x64xf32, #tpu.memory_space<vmem_shared>>
      %dma_wait3A_278 = arith.constant 0 : i32
      %dma_wait3A_279 = arith.constant 0 : i32
      %dma_wait3A_280 = tpu.memref_slice %arg6[%run_scoped3A_25, %dma_wait3A_278, %dma_wait3A_279] : memref<8x128x64xf32, #tpu.memory_space<vmem>> -> memref<1x128x64xf32, #tpu.memory_space<vmem>>
      %dma_wait3A_281 = tpu.memref_squeeze %dma_wait3A_280 : memref<1x128x64xf32, #tpu.memory_space<vmem>> -> memref<128x64xf32, #tpu.memory_space<vmem>>
      tpu.wait_dma2 semaphore(%run_scoped3A_257 : memref<!tpu.dma_semaphore, #tpu.memory_space<semaphore_mem>>) src(%dma_wait3A_281 : memref<128x64xf32, #tpu.memory_space<vmem>>) dst(%dma_wait3A_277 : memref<128x64xf32, #tpu.memory_space<vmem_shared>>)
      tpu.yield
    }) : () -> ()
    %add3A_26 = arith.constant 384 : i32
    %add3A_27 = arith.addi %mul3A_17, %add3A_26 : i32
    %run_scoped3A_28 = arith.constant 0 : i32
    "tpu.region"() ({
      %run_scoped3A_257 = tpu.sem_alloc : memref<!tpu.dma_semaphore, #tpu.memory_space<semaphore_mem>>
      %dma_start3A_258 = arith.constant 0 : i32
      %dma_start3A_259 = arith.constant 0 : i32
      %dma_start3A_260 = tpu.memref_slice %arg6[%run_scoped3A_28, %dma_start3A_258, %dma_start3A_259] : memref<8x128x64xf32, #tpu.memory_space<vmem>> -> memref<1x128x64xf32, #tpu.memory_space<vmem>>
      %dma_start3A_261 = tpu.memref_squeeze %dma_start3A_260 : memref<1x128x64xf32, #tpu.memory_space<vmem>> -> memref<128x64xf32, #tpu.memory_space<vmem>>
      %dma_start3A_262 = arith.constant 0 : i32
      %dma_start3A_263 = tpu.memref_slice %arg7[%add3A_27, %dma_start3A_262] : memref<10240x64xf32, #tpu.memory_space<vmem_shared>> -> memref<128x64xf32, #tpu.memory_space<vmem_shared>>
      %dma_start3A_264 = arith.constant 0 : i32
      %dma_start3A_265 = tpu.memref_slice %arg7[%add3A_27, %dma_start3A_264] : memref<10240x64xf32, #tpu.memory_space<vmem_shared>> -> memref<128x64xf32, #tpu.memory_space<vmem_shared>>
      %dma_start3A_266 = arith.constant 0 : i32
      %dma_start3A_267 = arith.constant 0 : i32
      %dma_start3A_268 = tpu.memref_slice %arg6[%run_scoped3A_28, %dma_start3A_266, %dma_start3A_267] : memref<8x128x64xf32, #tpu.memory_space<vmem>> -> memref<1x128x64xf32, #tpu.memory_space<vmem>>
      %dma_start3A_269 = tpu.memref_squeeze %dma_start3A_268 : memref<1x128x64xf32, #tpu.memory_space<vmem>> -> memref<128x64xf32, #tpu.memory_space<vmem>>
      tpu.enqueue_dma source(%dma_start3A_269 : memref<128x64xf32, #tpu.memory_space<vmem>>) target(%dma_start3A_265 : memref<128x64xf32, #tpu.memory_space<vmem_shared>>) target_semaphore(%run_scoped3A_257 : memref<!tpu.dma_semaphore, #tpu.memory_space<semaphore_mem>>)
      %dma_wait3A_270 = arith.constant 0 : i32
      %dma_wait3A_271 = arith.constant 0 : i32
      %dma_wait3A_272 = tpu.memref_slice %arg6[%run_scoped3A_28, %dma_wait3A_270, %dma_wait3A_271] : memref<8x128x64xf32, #tpu.memory_space<vmem>> -> memref<1x128x64xf32, #tpu.memory_space<vmem>>
      %dma_wait3A_273 = tpu.memref_squeeze %dma_wait3A_272 : memref<1x128x64xf32, #tpu.memory_space<vmem>> -> memref<128x64xf32, #tpu.memory_space<vmem>>
      %dma_wait3A_274 = arith.constant 0 : i32
      %dma_wait3A_275 = tpu.memref_slice %arg7[%add3A_27, %dma_wait3A_274] : memref<10240x64xf32, #tpu.memory_space<vmem_shared>> -> memref<128x64xf32, #tpu.memory_space<vmem_shared>>
      %dma_wait3A_276 = arith.constant 0 : i32
      %dma_wait3A_277 = tpu.memref_slice %arg7[%add3A_27, %dma_wait3A_276] : memref<10240x64xf32, #tpu.memory_space<vmem_shared>> -> memref<128x64xf32, #tpu.memory_space<vmem_shared>>
      %dma_wait3A_278 = arith.constant 0 : i32
      %dma_wait3A_279 = arith.constant 0 : i32
      %dma_wait3A_280 = tpu.memref_slice %arg6[%run_scoped3A_28, %dma_wait3A_278, %dma_wait3A_279] : memref<8x128x64xf32, #tpu.memory_space<vmem>> -> memref<1x128x64xf32, #tpu.memory_space<vmem>>
      %dma_wait3A_281 = tpu.memref_squeeze %dma_wait3A_280 : memref<1x128x64xf32, #tpu.memory_space<vmem>> -> memref<128x64xf32, #tpu.memory_space<vmem>>
      tpu.wait_dma2 semaphore(%run_scoped3A_257 : memref<!tpu.dma_semaphore, #tpu.memory_space<semaphore_mem>>) src(%dma_wait3A_281 : memref<128x64xf32, #tpu.memory_space<vmem>>) dst(%dma_wait3A_277 : memref<128x64xf32, #tpu.memory_space<vmem_shared>>)
      tpu.yield
    }) : () -> ()
    %add3A_29 = arith.constant 512 : i32
    %add3A_30 = arith.addi %mul3A_17, %add3A_29 : i32
    %run_scoped3A_31 = arith.constant 0 : i32
    "tpu.region"() ({
      %run_scoped3A_257 = tpu.sem_alloc : memref<!tpu.dma_semaphore, #tpu.memory_space<semaphore_mem>>
      %dma_start3A_258 = arith.constant 0 : i32
      %dma_start3A_259 = arith.constant 0 : i32
      %dma_start3A_260 = tpu.memref_slice %arg6[%run_scoped3A_31, %dma_start3A_258, %dma_start3A_259] : memref<8x128x64xf32, #tpu.memory_space<vmem>> -> memref<1x128x64xf32, #tpu.memory_space<vmem>>
      %dma_start3A_261 = tpu.memref_squeeze %dma_start3A_260 : memref<1x128x64xf32, #tpu.memory_space<vmem>> -> memref<128x64xf32, #tpu.memory_space<vmem>>
      %dma_start3A_262 = arith.constant 0 : i32
      %dma_start3A_263 = tpu.memref_slice %arg7[%add3A_30, %dma_start3A_262] : memref<10240x64xf32, #tpu.memory_space<vmem_shared>> -> memref<128x64xf32, #tpu.memory_space<vmem_shared>>
      %dma_start3A_264 = arith.constant 0 : i32
      %dma_start3A_265 = tpu.memref_slice %arg7[%add3A_30, %dma_start3A_264] : memref<10240x64xf32, #tpu.memory_space<vmem_shared>> -> memref<128x64xf32, #tpu.memory_space<vmem_shared>>
      %dma_start3A_266 = arith.constant 0 : i32
      %dma_start3A_267 = arith.constant 0 : i32
      %dma_start3A_268 = tpu.memref_slice %arg6[%run_scoped3A_31, %dma_start3A_266, %dma_start3A_267] : memref<8x128x64xf32, #tpu.memory_space<vmem>> -> memref<1x128x64xf32, #tpu.memory_space<vmem>>
      %dma_start3A_269 = tpu.memref_squeeze %dma_start3A_268 : memref<1x128x64xf32, #tpu.memory_space<vmem>> -> memref<128x64xf32, #tpu.memory_space<vmem>>
      tpu.enqueue_dma source(%dma_start3A_269 : memref<128x64xf32, #tpu.memory_space<vmem>>) target(%dma_start3A_265 : memref<128x64xf32, #tpu.memory_space<vmem_shared>>) target_semaphore(%run_scoped3A_257 : memref<!tpu.dma_semaphore, #tpu.memory_space<semaphore_mem>>)
      %dma_wait3A_270 = arith.constant 0 : i32
      %dma_wait3A_271 = arith.constant 0 : i32
      %dma_wait3A_272 = tpu.memref_slice %arg6[%run_scoped3A_31, %dma_wait3A_270, %dma_wait3A_271] : memref<8x128x64xf32, #tpu.memory_space<vmem>> -> memref<1x128x64xf32, #tpu.memory_space<vmem>>
      %dma_wait3A_273 = tpu.memref_squeeze %dma_wait3A_272 : memref<1x128x64xf32, #tpu.memory_space<vmem>> -> memref<128x64xf32, #tpu.memory_space<vmem>>
      %dma_wait3A_274 = arith.constant 0 : i32
      %dma_wait3A_275 = tpu.memref_slice %arg7[%add3A_30, %dma_wait3A_274] : memref<10240x64xf32, #tpu.memory_space<vmem_shared>> -> memref<128x64xf32, #tpu.memory_space<vmem_shared>>
      %dma_wait3A_276 = arith.constant 0 : i32
      %dma_wait3A_277 = tpu.memref_slice %arg7[%add3A_30, %dma_wait3A_276] : memref<10240x64xf32, #tpu.memory_space<vmem_shared>> -> memref<128x64xf32, #tpu.memory_space<vmem_shared>>
      %dma_wait3A_278 = arith.constant 0 : i32
      %dma_wait3A_279 = arith.constant 0 : i32
      %dma_wait3A_280 = tpu.memref_slice %arg6[%run_scoped3A_31, %dma_wait3A_278, %dma_wait3A_279] : memref<8x128x64xf32, #tpu.memory_space<vmem>> -> memref<1x128x64xf32, #tpu.memory_space<vmem>>
      %dma_wait3A_281 = tpu.memref_squeeze %dma_wait3A_280 : memref<1x128x64xf32, #tpu.memory_space<vmem>> -> memref<128x64xf32, #tpu.memory_space<vmem>>
      tpu.wait_dma2 semaphore(%run_scoped3A_257 : memref<!tpu.dma_semaphore, #tpu.memory_space<semaphore_mem>>) src(%dma_wait3A_281 : memref<128x64xf32, #tpu.memory_space<vmem>>) dst(%dma_wait3A_277 : memref<128x64xf32, #tpu.memory_space<vmem_shared>>)
      tpu.yield
    }) : () -> ()
    %run_scoped3A_32 = arith.constant 0 : i32
    "tpu.region"() ({
      %run_scoped3A_257 = tpu.sem_alloc : memref<!tpu.dma_semaphore, #tpu.memory_space<semaphore_mem>>
      %dma_start3A_258 = arith.constant 0 : i32
      %dma_start3A_259 = arith.constant 0 : i32
      %dma_start3A_260 = tpu.memref_slice %arg5[%dma_start3A_258, %dma_start3A_259] : memref<158x128xi32, #tpu.memory_space<vmem>> -> memref<79x128xi32, #tpu.memory_space<vmem>>
      %dma_start3A_261 = arith.constant 0 : i32
      %dma_start3A_262 = tpu.memref_slice %arg3[%run_scoped3A_32, %add3A_9, %dma_start3A_261] : memref<2x2500x128xi32, #tpu.memory_space<hbm>> -> memref<1x79x128xi32, #tpu.memory_space<hbm>>
      %dma_start3A_263 = tpu.memref_squeeze %dma_start3A_262 : memref<1x79x128xi32, #tpu.memory_space<hbm>> -> memref<79x128xi32, #tpu.memory_space<hbm>>
      %dma_start3A_264 = arith.constant 0 : i32
      %dma_start3A_265 = arith.constant 0 : i32
      %dma_start3A_266 = tpu.memref_slice %arg5[%dma_start3A_264, %dma_start3A_265] : memref<158x128xi32, #tpu.memory_space<vmem>> -> memref<79x128xi32, #tpu.memory_space<vmem>>
      %dma_start3A_267 = arith.constant 0 : i32
      %dma_start3A_268 = tpu.memref_slice %arg3[%run_scoped3A_32, %add3A_9, %dma_start3A_267] : memref<2x2500x128xi32, #tpu.memory_space<hbm>> -> memref<1x79x128xi32, #tpu.memory_space<hbm>>
      %dma_start3A_269 = tpu.memref_squeeze %dma_start3A_268 : memref<1x79x128xi32, #tpu.memory_space<hbm>> -> memref<79x128xi32, #tpu.memory_space<hbm>>
      tpu.enqueue_dma source(%dma_start3A_269 : memref<79x128xi32, #tpu.memory_space<hbm>>) target(%dma_start3A_266 : memref<79x128xi32, #tpu.memory_space<vmem>>) target_semaphore(%run_scoped3A_257 : memref<!tpu.dma_semaphore, #tpu.memory_space<semaphore_mem>>)
      %dma_wait3A_270 = arith.constant 0 : i32
      %dma_wait3A_271 = arith.constant 0 : i32
      %dma_wait3A_272 = tpu.memref_slice %arg5[%dma_wait3A_270, %dma_wait3A_271] : memref<158x128xi32, #tpu.memory_space<vmem>> -> memref<79x128xi32, #tpu.memory_space<vmem>>
      %dma_wait3A_273 = arith.constant 0 : i32
      %dma_wait3A_274 = tpu.memref_slice %arg3[%run_scoped3A_32, %add3A_9, %dma_wait3A_273] : memref<2x2500x128xi32, #tpu.memory_space<hbm>> -> memref<1x79x128xi32, #tpu.memory_space<hbm>>
      %dma_wait3A_275 = tpu.memref_squeeze %dma_wait3A_274 : memref<1x79x128xi32, #tpu.memory_space<hbm>> -> memref<79x128xi32, #tpu.memory_space<hbm>>
      %dma_wait3A_276 = arith.constant 0 : i32
      %dma_wait3A_277 = arith.constant 0 : i32
      %dma_wait3A_278 = tpu.memref_slice %arg5[%dma_wait3A_276, %dma_wait3A_277] : memref<158x128xi32, #tpu.memory_space<vmem>> -> memref<79x128xi32, #tpu.memory_space<vmem>>
      %dma_wait3A_279 = arith.constant 0 : i32
      %dma_wait3A_280 = tpu.memref_slice %arg3[%run_scoped3A_32, %add3A_9, %dma_wait3A_279] : memref<2x2500x128xi32, #tpu.memory_space<hbm>> -> memref<1x79x128xi32, #tpu.memory_space<hbm>>
      %dma_wait3A_281 = tpu.memref_squeeze %dma_wait3A_280 : memref<1x79x128xi32, #tpu.memory_space<hbm>> -> memref<79x128xi32, #tpu.memory_space<hbm>>
      tpu.wait_dma2 semaphore(%run_scoped3A_257 : memref<!tpu.dma_semaphore, #tpu.memory_space<semaphore_mem>>) src(%dma_wait3A_281 : memref<79x128xi32, #tpu.memory_space<hbm>>) dst(%dma_wait3A_278 : memref<79x128xi32, #tpu.memory_space<vmem>>)
      tpu.yield
    }) : () -> ()
    %run_scoped3A_33 = arith.constant 1 : i32
    "tpu.region"() ({
      %run_scoped3A_257 = tpu.sem_alloc : memref<!tpu.dma_semaphore, #tpu.memory_space<semaphore_mem>>
      %dma_start3A_258 = arith.constant 79 : i32
      %dma_start3A_259 = arith.constant 0 : i32
      %dma_start3A_260 = tpu.memref_slice %arg5[%dma_start3A_258, %dma_start3A_259] : memref<158x128xi32, #tpu.memory_space<vmem>> -> memref<79x128xi32, #tpu.memory_space<vmem>>
      %dma_start3A_261 = arith.constant 0 : i32
      %dma_start3A_262 = tpu.memref_slice %arg3[%run_scoped3A_33, %add3A_9, %dma_start3A_261] : memref<2x2500x128xi32, #tpu.memory_space<hbm>> -> memref<1x79x128xi32, #tpu.memory_space<hbm>>
      %dma_start3A_263 = tpu.memref_squeeze %dma_start3A_262 : memref<1x79x128xi32, #tpu.memory_space<hbm>> -> memref<79x128xi32, #tpu.memory_space<hbm>>
      %dma_start3A_264 = arith.constant 79 : i32
      %dma_start3A_265 = arith.constant 0 : i32
      %dma_start3A_266 = tpu.memref_slice %arg5[%dma_start3A_264, %dma_start3A_265] : memref<158x128xi32, #tpu.memory_space<vmem>> -> memref<79x128xi32, #tpu.memory_space<vmem>>
      %dma_start3A_267 = arith.constant 0 : i32
      %dma_start3A_268 = tpu.memref_slice %arg3[%run_scoped3A_33, %add3A_9, %dma_start3A_267] : memref<2x2500x128xi32, #tpu.memory_space<hbm>> -> memref<1x79x128xi32, #tpu.memory_space<hbm>>
      %dma_start3A_269 = tpu.memref_squeeze %dma_start3A_268 : memref<1x79x128xi32, #tpu.memory_space<hbm>> -> memref<79x128xi32, #tpu.memory_space<hbm>>
      tpu.enqueue_dma source(%dma_start3A_269 : memref<79x128xi32, #tpu.memory_space<hbm>>) target(%dma_start3A_266 : memref<79x128xi32, #tpu.memory_space<vmem>>) target_semaphore(%run_scoped3A_257 : memref<!tpu.dma_semaphore, #tpu.memory_space<semaphore_mem>>)
      %dma_wait3A_270 = arith.constant 79 : i32
      %dma_wait3A_271 = arith.constant 0 : i32
      %dma_wait3A_272 = tpu.memref_slice %arg5[%dma_wait3A_270, %dma_wait3A_271] : memref<158x128xi32, #tpu.memory_space<vmem>> -> memref<79x128xi32, #tpu.memory_space<vmem>>
      %dma_wait3A_273 = arith.constant 0 : i32
      %dma_wait3A_274 = tpu.memref_slice %arg3[%run_scoped3A_33, %add3A_9, %dma_wait3A_273] : memref<2x2500x128xi32, #tpu.memory_space<hbm>> -> memref<1x79x128xi32, #tpu.memory_space<hbm>>
      %dma_wait3A_275 = tpu.memref_squeeze %dma_wait3A_274 : memref<1x79x128xi32, #tpu.memory_space<hbm>> -> memref<79x128xi32, #tpu.memory_space<hbm>>
      %dma_wait3A_276 = arith.constant 79 : i32
      %dma_wait3A_277 = arith.constant 0 : i32
      %dma_wait3A_278 = tpu.memref_slice %arg5[%dma_wait3A_276, %dma_wait3A_277] : memref<158x128xi32, #tpu.memory_space<vmem>> -> memref<79x128xi32, #tpu.memory_space<vmem>>
      %dma_wait3A_279 = arith.constant 0 : i32
      %dma_wait3A_280 = tpu.memref_slice %arg3[%run_scoped3A_33, %add3A_9, %dma_wait3A_279] : memref<2x2500x128xi32, #tpu.memory_space<hbm>> -> memref<1x79x128xi32, #tpu.memory_space<hbm>>
      %dma_wait3A_281 = tpu.memref_squeeze %dma_wait3A_280 : memref<1x79x128xi32, #tpu.memory_space<hbm>> -> memref<79x128xi32, #tpu.memory_space<hbm>>
      tpu.wait_dma2 semaphore(%run_scoped3A_257 : memref<!tpu.dma_semaphore, #tpu.memory_space<semaphore_mem>>) src(%dma_wait3A_281 : memref<79x128xi32, #tpu.memory_space<hbm>>) dst(%dma_wait3A_278 : memref<79x128xi32, #tpu.memory_space<vmem>>)
      tpu.yield
    }) : () -> ()
    %scan3A_34 = arith.constant 0 : i32
    %scan3A_35 = arith.constant 0 : i32
    %scan3A_36 = arith.constant 79 : i32
    %scan3A_37 = arith.addi %scan3A_35, %scan3A_36 : i32
    %scan3A_38 = arith.constant 1 : i32
    scf.for %scan3A_257 = %scan3A_35 to %scan3A_37 step %scan3A_38  : i32 {
      %add3A_258 = arith.constant 79 : i32
      %add3A_259 = arith.addi %add3A_258, %scan3A_257 : i32
      %get3A = arith.index_cast %add3A_259 : i32 to index
      %get3A_260 = arith.constant 0 : index
      %get3A_261 = tpu.vector_load %arg5[%get3A, %get3A_260] {strides = array<i32>} : memref<158x128xi32, #tpu.memory_space<vmem>>, vector<1x16xi32>,
      %get3A_262 = vector.shape_cast %get3A_261 : vector<1x16xi32> to vector<16xi32>
      %add3A_263 = arith.addi %get3A_262, %get3A_262 : vector<16xi32>
      %add3A_264 = arith.constant 79 : i32
      %add3A_265 = arith.addi %add3A_264, %scan3A_257 : i32
      %swap3A = arith.index_cast %add3A_265 : i32 to index
      %swap3A_266 = arith.constant 0 : index
      %swap3A_267 = tpu.vector_load %arg5[%swap3A, %swap3A_266] {strides = array<i32>} : memref<158x128xi32, #tpu.memory_space<vmem>>, vector<1x16xi32>,
      %swap3A_268 = vector.shape_cast %swap3A_267 : vector<1x16xi32> to vector<16xi32>
      %swap3A_269 = vector.shape_cast %add3A_263 : vector<16xi32> to vector<1x16xi32>
      tpu.vector_store %arg5[%swap3A, %swap3A_266], %swap3A_269 {strides = array<i32>} : memref<158x128xi32, #tpu.memory_space<vmem>>, vector<1x16xi32>,
      %add3A_270 = arith.constant 79 : i32
      %add3A_271 = arith.addi %add3A_270, %scan3A_257 : i32
      %get3A_272 = arith.index_cast %add3A_271 : i32 to index
      %get3A_273 = arith.constant 16 : index
      %get3A_274 = tpu.vector_load %arg5[%get3A_272, %get3A_273] {strides = array<i32>} : memref<158x128xi32, #tpu.memory_space<vmem>>, vector<1x16xi32>,
      %get3A_275 = vector.shape_cast %get3A_274 : vector<1x16xi32> to vector<16xi32>
      %add3A_276 = arith.addi %get3A_275, %get3A_275 : vector<16xi32>
      %add3A_277 = arith.constant 79 : i32
      %add3A_278 = arith.addi %add3A_277, %scan3A_257 : i32
      %swap3A_279 = arith.index_cast %add3A_278 : i32 to index
      %swap3A_280 = arith.constant 16 : index
      %swap3A_281 = tpu.vector_load %arg5[%swap3A_279, %swap3A_280] {strides = array<i32>} : memref<158x128xi32, #tpu.memory_space<vmem>>, vector<1x16xi32>,
      %swap3A_282 = vector.shape_cast %swap3A_281 : vector<1x16xi32> to vector<16xi32>
      %swap3A_283 = vector.shape_cast %add3A_276 : vector<16xi32> to vector<1x16xi32>
      tpu.vector_store %arg5[%swap3A_279, %swap3A_280], %swap3A_283 {strides = array<i32>} : memref<158x128xi32, #tpu.memory_space<vmem>>, vector<1x16xi32>,
      %add3A_284 = arith.constant 79 : i32
      %add3A_285 = arith.addi %add3A_284, %scan3A_257 : i32
      %get3A_286 = arith.index_cast %add3A_285 : i32 to index
      %get3A_287 = arith.constant 32 : index
      %get3A_288 = tpu.vector_load %arg5[%get3A_286, %get3A_287] {strides = array<i32>} : memref<158x128xi32, #tpu.memory_space<vmem>>, vector<1x16xi32>,
      %get3A_289 = vector.shape_cast %get3A_288 : vector<1x16xi32> to vector<16xi32>
      %add3A_290 = arith.addi %get3A_289, %get3A_289 : vector<16xi32>
      %add3A_291 = arith.constant 79 : i32
      %add3A_292 = arith.addi %add3A_291, %scan3A_257 : i32
      %swap3A_293 = arith.index_cast %add3A_292 : i32 to index
      %swap3A_294 = arith.constant 32 : index
      %swap3A_295 = tpu.vector_load %arg5[%swap3A_293, %swap3A_294] {strides = array<i32>} : memref<158x128xi32, #tpu.memory_space<vmem>>, vector<1x16xi32>,
      %swap3A_296 = vector.shape_cast %swap3A_295 : vector<1x16xi32> to vector<16xi32>
      %swap3A_297 = vector.shape_cast %add3A_290 : vector<16xi32> to vector<1x16xi32>
      tpu.vector_store %arg5[%swap3A_293, %swap3A_294], %swap3A_297 {strides = array<i32>} : memref<158x128xi32, #tpu.memory_space<vmem>>, vector<1x16xi32>,
      %add3A_298 = arith.constant 79 : i32
      %add3A_299 = arith.addi %add3A_298, %scan3A_257 : i32
      %get3A_300 = arith.index_cast %add3A_299 : i32 to index
      %get3A_301 = arith.constant 48 : index
      %get3A_302 = tpu.vector_load %arg5[%get3A_300, %get3A_301] {strides = array<i32>} : memref<158x128xi32, #tpu.memory_space<vmem>>, vector<1x16xi32>,
      %get3A_303 = vector.shape_cast %get3A_302 : vector<1x16xi32> to vector<16xi32>
      %add3A_304 = arith.addi %get3A_303, %get3A_303 : vector<16xi32>
      %add3A_305 = arith.constant 79 : i32
      %add3A_306 = arith.addi %add3A_305, %scan3A_257 : i32
      %swap3A_307 = arith.index_cast %add3A_306 : i32 to index
      %swap3A_308 = arith.constant 48 : index
      %swap3A_309 = tpu.vector_load %arg5[%swap3A_307, %swap3A_308] {strides = array<i32>} : memref<158x128xi32, #tpu.memory_space<vmem>>, vector<1x16xi32>,
      %swap3A_310 = vector.shape_cast %swap3A_309 : vector<1x16xi32> to vector<16xi32>
      %swap3A_311 = vector.shape_cast %add3A_304 : vector<16xi32> to vector<1x16xi32>
      tpu.vector_store %arg5[%swap3A_307, %swap3A_308], %swap3A_311 {strides = array<i32>} : memref<158x128xi32, #tpu.memory_space<vmem>>, vector<1x16xi32>,
      %add3A_312 = arith.constant 79 : i32
      %add3A_313 = arith.addi %add3A_312, %scan3A_257 : i32
      %get3A_314 = arith.index_cast %add3A_313 : i32 to index
      %get3A_315 = arith.constant 64 : index
      %get3A_316 = tpu.vector_load %arg5[%get3A_314, %get3A_315] {strides = array<i32>} : memref<158x128xi32, #tpu.memory_space<vmem>>, vector<1x16xi32>,
      %get3A_317 = vector.shape_cast %get3A_316 : vector<1x16xi32> to vector<16xi32>
      %add3A_318 = arith.addi %get3A_317, %get3A_317 : vector<16xi32>
      %add3A_319 = arith.constant 79 : i32
      %add3A_320 = arith.addi %add3A_319, %scan3A_257 : i32
      %swap3A_321 = arith.index_cast %add3A_320 : i32 to index
      %swap3A_322 = arith.constant 64 : index
      %swap3A_323 = tpu.vector_load %arg5[%swap3A_321, %swap3A_322] {strides = array<i32>} : memref<158x128xi32, #tpu.memory_space<vmem>>, vector<1x16xi32>,
      %swap3A_324 = vector.shape_cast %swap3A_323 : vector<1x16xi32> to vector<16xi32>
      %swap3A_325 = vector.shape_cast %add3A_318 : vector<16xi32> to vector<1x16xi32>
      tpu.vector_store %arg5[%swap3A_321, %swap3A_322], %swap3A_325 {strides = array<i32>} : memref<158x128xi32, #tpu.memory_space<vmem>>, vector<1x16xi32>,
      %add3A_326 = arith.constant 79 : i32
      %add3A_327 = arith.addi %add3A_326, %scan3A_257 : i32
      %get3A_328 = arith.index_cast %add3A_327 : i32 to index
      %get3A_329 = arith.constant 80 : index
      %get3A_330 = tpu.vector_load %arg5[%get3A_328, %get3A_329] {strides = array<i32>} : memref<158x128xi32, #tpu.memory_space<vmem>>, vector<1x16xi32>,
      %get3A_331 = vector.shape_cast %get3A_330 : vector<1x16xi32> to vector<16xi32>
      %add3A_332 = arith.addi %get3A_331, %get3A_331 : vector<16xi32>
      %add3A_333 = arith.constant 79 : i32
      %add3A_334 = arith.addi %add3A_333, %scan3A_257 : i32
      %swap3A_335 = arith.index_cast %add3A_334 : i32 to index
      %swap3A_336 = arith.constant 80 : index
      %swap3A_337 = tpu.vector_load %arg5[%swap3A_335, %swap3A_336] {strides = array<i32>} : memref<158x128xi32, #tpu.memory_space<vmem>>, vector<1x16xi32>,
      %swap3A_338 = vector.shape_cast %swap3A_337 : vector<1x16xi32> to vector<16xi32>
      %swap3A_339 = vector.shape_cast %add3A_332 : vector<16xi32> to vector<1x16xi32>
      tpu.vector_store %arg5[%swap3A_335, %swap3A_336], %swap3A_339 {strides = array<i32>} : memref<158x128xi32, #tpu.memory_space<vmem>>, vector<1x16xi32>,
      %add3A_340 = arith.constant 79 : i32
      %add3A_341 = arith.addi %add3A_340, %scan3A_257 : i32
      %get3A_342 = arith.index_cast %add3A_341 : i32 to index
      %get3A_343 = arith.constant 96 : index
      %get3A_344 = tpu.vector_load %arg5[%get3A_342, %get3A_343] {strides = array<i32>} : memref<158x128xi32, #tpu.memory_space<vmem>>, vector<1x16xi32>,
      %get3A_345 = vector.shape_cast %get3A_344 : vector<1x16xi32> to vector<16xi32>
      %add3A_346 = arith.addi %get3A_345, %get3A_345 : vector<16xi32>
      %add3A_347 = arith.constant 79 : i32
      %add3A_348 = arith.addi %add3A_347, %scan3A_257 : i32
      %swap3A_349 = arith.index_cast %add3A_348 : i32 to index
      %swap3A_350 = arith.constant 96 : index
      %swap3A_351 = tpu.vector_load %arg5[%swap3A_349, %swap3A_350] {strides = array<i32>} : memref<158x128xi32, #tpu.memory_space<vmem>>, vector<1x16xi32>,
      %swap3A_352 = vector.shape_cast %swap3A_351 : vector<1x16xi32> to vector<16xi32>
      %swap3A_353 = vector.shape_cast %add3A_346 : vector<16xi32> to vector<1x16xi32>
      tpu.vector_store %arg5[%swap3A_349, %swap3A_350], %swap3A_353 {strides = array<i32>} : memref<158x128xi32, #tpu.memory_space<vmem>>, vector<1x16xi32>,
      %add3A_354 = arith.constant 79 : i32
      %add3A_355 = arith.addi %add3A_354, %scan3A_257 : i32
      %get3A_356 = arith.index_cast %add3A_355 : i32 to index
      %get3A_357 = arith.constant 112 : index
      %get3A_358 = tpu.vector_load %arg5[%get3A_356, %get3A_357] {strides = array<i32>} : memref<158x128xi32, #tpu.memory_space<vmem>>, vector<1x16xi32>,
      %get3A_359 = vector.shape_cast %get3A_358 : vector<1x16xi32> to vector<16xi32>
      %add3A_360 = arith.addi %get3A_359, %get3A_359 : vector<16xi32>
      %add3A_361 = arith.constant 79 : i32
      %add3A_362 = arith.addi %add3A_361, %scan3A_257 : i32
      %swap3A_363 = arith.index_cast %add3A_362 : i32 to index
      %swap3A_364 = arith.constant 112 : index
      %swap3A_365 = tpu.vector_load %arg5[%swap3A_363, %swap3A_364] {strides = array<i32>} : memref<158x128xi32, #tpu.memory_space<vmem>>, vector<1x16xi32>,
      %swap3A_366 = vector.shape_cast %swap3A_365 : vector<1x16xi32> to vector<16xi32>
      %swap3A_367 = vector.shape_cast %add3A_360 : vector<16xi32> to vector<1x16xi32>
      tpu.vector_store %arg5[%swap3A_363, %swap3A_364], %swap3A_367 {strides = array<i32>} : memref<158x128xi32, #tpu.memory_space<vmem>>, vector<1x16xi32>,
    }
    %scan3A_39 = arith.constant 79 : i32
    %barrier3A = arith.constant 0 : index
    tpu.barrier barrier_id(%barrier3A)
    %dma_start3A = arith.constant 79 : i32
    %dma_start3A_40 = arith.constant 0 : i32
    %dma_start3A_41 = arith.constant 0 : i32
    %dma_start3A_42 = arith.constant 0 : i32
    %dma_start3A_43 = arith.constant 0 : i32
    %dma_start3A_44 = tpu.memref_slice %arg6[%dma_start3A_40, %dma_start3A_42, %dma_start3A_43] : memref<8x128x64xf32, #tpu.memory_space<vmem>> -> memref<1x128x64xf32, #tpu.memory_space<vmem>>
    %dma_start3A_45 = tpu.memref_squeeze %dma_start3A_44 : memref<1x128x64xf32, #tpu.memory_space<vmem>> -> memref<128x64xf32, #tpu.memory_space<vmem>>
    %dma_start3A_46 = arith.constant 0 : i32
    %dma_start3A_47 = tpu.memref_slice %arg5[%dma_start3A, %dma_start3A_46] : memref<158x128xi32, #tpu.memory_space<vmem>> -> memref<1x128xi32, #tpu.memory_space<vmem>>
    %dma_start3A_48 = tpu.memref_squeeze %dma_start3A_47 : memref<1x128xi32, #tpu.memory_space<vmem>> -> memref<128xi32, #tpu.memory_space<vmem>>
    %dma_start3A_49 = arith.constant 0 : i32
    %dma_start3A_50 = arith.constant 0 : i32
    %dma_start3A_51 = tpu.memref_slice %arg2[%dma_start3A_49, %dma_start3A_50] : memref<20000x64xf32, #tpu.memory_space<hbm>> -> memref<20000x64xf32, #tpu.memory_space<hbm>>
    %dma_start3A_52 = tpu.memref_slice %arg8[%dma_start3A_41] : memref<8x!tpu.dma_semaphore, #tpu.memory_space<semaphore_mem>> -> memref<1x!tpu.dma_semaphore, #tpu.memory_space<semaphore_mem>>
    %dma_start3A_53 = tpu.memref_squeeze %dma_start3A_52 : memref<1x!tpu.dma_semaphore, #tpu.memory_space<semaphore_mem>> -> memref<!tpu.dma_semaphore, #tpu.memory_space<semaphore_mem>>
    tpu.enqueue_indirect_dma source(%dma_start3A_51 : memref<20000x64xf32, #tpu.memory_space<hbm>>) target(%dma_start3A_45 : memref<128x64xf32, #tpu.memory_space<vmem>>) offsets(%dma_start3A_48 : memref<128xi32, #tpu.memory_space<vmem>>) semaphore(%dma_start3A_53 : memref<!tpu.dma_semaphore, #tpu.memory_space<semaphore_mem>>)
    %dma_start3A_54 = arith.constant 80 : i32
    %dma_start3A_55 = arith.constant 1 : i32
    %dma_start3A_56 = arith.constant 1 : i32
    %dma_start3A_57 = arith.constant 0 : i32
    %dma_start3A_58 = arith.constant 0 : i32
    %dma_start3A_59 = tpu.memref_slice %arg6[%dma_start3A_55, %dma_start3A_57, %dma_start3A_58] : memref<8x128x64xf32, #tpu.memory_space<vmem>> -> memref<1x128x64xf32, #tpu.memory_space<vmem>>
    %dma_start3A_60 = tpu.memref_squeeze %dma_start3A_59 : memref<1x128x64xf32, #tpu.memory_space<vmem>> -> memref<128x64xf32, #tpu.memory_space<vmem>>
    %dma_start3A_61 = arith.constant 0 : i32
    %dma_start3A_62 = tpu.memref_slice %arg5[%dma_start3A_54, %dma_start3A_61] : memref<158x128xi32, #tpu.memory_space<vmem>> -> memref<1x128xi32, #tpu.memory_space<vmem>>
    %dma_start3A_63 = tpu.memref_squeeze %dma_start3A_62 : memref<1x128xi32, #tpu.memory_space<vmem>> -> memref<128xi32, #tpu.memory_space<vmem>>
    %dma_start3A_64 = arith.constant 0 : i32
    %dma_start3A_65 = arith.constant 0 : i32
    %dma_start3A_66 = tpu.memref_slice %arg2[%dma_start3A_64, %dma_start3A_65] : memref<20000x64xf32, #tpu.memory_space<hbm>> -> memref<20000x64xf32, #tpu.memory_space<hbm>>
    %dma_start3A_67 = tpu.memref_slice %arg8[%dma_start3A_56] : memref<8x!tpu.dma_semaphore, #tpu.memory_space<semaphore_mem>> -> memref<1x!tpu.dma_semaphore, #tpu.memory_space<semaphore_mem>>
    %dma_start3A_68 = tpu.memref_squeeze %dma_start3A_67 : memref<1x!tpu.dma_semaphore, #tpu.memory_space<semaphore_mem>> -> memref<!tpu.dma_semaphore, #tpu.memory_space<semaphore_mem>>
    tpu.enqueue_indirect_dma source(%dma_start3A_66 : memref<20000x64xf32, #tpu.memory_space<hbm>>) target(%dma_start3A_60 : memref<128x64xf32, #tpu.memory_space<vmem>>) offsets(%dma_start3A_63 : memref<128xi32, #tpu.memory_space<vmem>>) semaphore(%dma_start3A_68 : memref<!tpu.dma_semaphore, #tpu.memory_space<semaphore_mem>>)
    %dma_start3A_69 = arith.constant 81 : i32
    %dma_start3A_70 = arith.constant 2 : i32
    %dma_start3A_71 = arith.constant 2 : i32
    %dma_start3A_72 = arith.constant 0 : i32
    %dma_start3A_73 = arith.constant 0 : i32
    %dma_start3A_74 = tpu.memref_slice %arg6[%dma_start3A_70, %dma_start3A_72, %dma_start3A_73] : memref<8x128x64xf32, #tpu.memory_space<vmem>> -> memref<1x128x64xf32, #tpu.memory_space<vmem>>
    %dma_start3A_75 = tpu.memref_squeeze %dma_start3A_74 : memref<1x128x64xf32, #tpu.memory_space<vmem>> -> memref<128x64xf32, #tpu.memory_space<vmem>>
    %dma_start3A_76 = arith.constant 0 : i32
    %dma_start3A_77 = tpu.memref_slice %arg5[%dma_start3A_69, %dma_start3A_76] : memref<158x128xi32, #tpu.memory_space<vmem>> -> memref<1x128xi32, #tpu.memory_space<vmem>>
    %dma_start3A_78 = tpu.memref_squeeze %dma_start3A_77 : memref<1x128xi32, #tpu.memory_space<vmem>> -> memref<128xi32, #tpu.memory_space<vmem>>
    %dma_start3A_79 = arith.constant 0 : i32
    %dma_start3A_80 = arith.constant 0 : i32
    %dma_start3A_81 = tpu.memref_slice %arg2[%dma_start3A_79, %dma_start3A_80] : memref<20000x64xf32, #tpu.memory_space<hbm>> -> memref<20000x64xf32, #tpu.memory_space<hbm>>
    %dma_start3A_82 = tpu.memref_slice %arg8[%dma_start3A_71] : memref<8x!tpu.dma_semaphore, #tpu.memory_space<semaphore_mem>> -> memref<1x!tpu.dma_semaphore, #tpu.memory_space<semaphore_mem>>
    %dma_start3A_83 = tpu.memref_squeeze %dma_start3A_82 : memref<1x!tpu.dma_semaphore, #tpu.memory_space<semaphore_mem>> -> memref<!tpu.dma_semaphore, #tpu.memory_space<semaphore_mem>>
    tpu.enqueue_indirect_dma source(%dma_start3A_81 : memref<20000x64xf32, #tpu.memory_space<hbm>>) target(%dma_start3A_75 : memref<128x64xf32, #tpu.memory_space<vmem>>) offsets(%dma_start3A_78 : memref<128xi32, #tpu.memory_space<vmem>>) semaphore(%dma_start3A_83 : memref<!tpu.dma_semaphore, #tpu.memory_space<semaphore_mem>>)
    %dma_start3A_84 = arith.constant 82 : i32
    %dma_start3A_85 = arith.constant 3 : i32
    %dma_start3A_86 = arith.constant 3 : i32
    %dma_start3A_87 = arith.constant 0 : i32
    %dma_start3A_88 = arith.constant 0 : i32
    %dma_start3A_89 = tpu.memref_slice %arg6[%dma_start3A_85, %dma_start3A_87, %dma_start3A_88] : memref<8x128x64xf32, #tpu.memory_space<vmem>> -> memref<1x128x64xf32, #tpu.memory_space<vmem>>
    %dma_start3A_90 = tpu.memref_squeeze %dma_start3A_89 : memref<1x128x64xf32, #tpu.memory_space<vmem>> -> memref<128x64xf32, #tpu.memory_space<vmem>>
    %dma_start3A_91 = arith.constant 0 : i32
    %dma_start3A_92 = tpu.memref_slice %arg5[%dma_start3A_84, %dma_start3A_91] : memref<158x128xi32, #tpu.memory_space<vmem>> -> memref<1x128xi32, #tpu.memory_space<vmem>>
    %dma_start3A_93 = tpu.memref_squeeze %dma_start3A_92 : memref<1x128xi32, #tpu.memory_space<vmem>> -> memref<128xi32, #tpu.memory_space<vmem>>
    %dma_start3A_94 = arith.constant 0 : i32
    %dma_start3A_95 = arith.constant 0 : i32
    %dma_start3A_96 = tpu.memref_slice %arg2[%dma_start3A_94, %dma_start3A_95] : memref<20000x64xf32, #tpu.memory_space<hbm>> -> memref<20000x64xf32, #tpu.memory_space<hbm>>
    %dma_start3A_97 = tpu.memref_slice %arg8[%dma_start3A_86] : memref<8x!tpu.dma_semaphore, #tpu.memory_space<semaphore_mem>> -> memref<1x!tpu.dma_semaphore, #tpu.memory_space<semaphore_mem>>
    %dma_start3A_98 = tpu.memref_squeeze %dma_start3A_97 : memref<1x!tpu.dma_semaphore, #tpu.memory_space<semaphore_mem>> -> memref<!tpu.dma_semaphore, #tpu.memory_space<semaphore_mem>>
    tpu.enqueue_indirect_dma source(%dma_start3A_96 : memref<20000x64xf32, #tpu.memory_space<hbm>>) target(%dma_start3A_90 : memref<128x64xf32, #tpu.memory_space<vmem>>) offsets(%dma_start3A_93 : memref<128xi32, #tpu.memory_space<vmem>>) semaphore(%dma_start3A_98 : memref<!tpu.dma_semaphore, #tpu.memory_space<semaphore_mem>>)
    %dma_start3A_99 = arith.constant 83 : i32
    %dma_start3A_100 = arith.constant 4 : i32
    %dma_start3A_101 = arith.constant 4 : i32
    %dma_start3A_102 = arith.constant 0 : i32
    %dma_start3A_103 = arith.constant 0 : i32
    %dma_start3A_104 = tpu.memref_slice %arg6[%dma_start3A_100, %dma_start3A_102, %dma_start3A_103] : memref<8x128x64xf32, #tpu.memory_space<vmem>> -> memref<1x128x64xf32, #tpu.memory_space<vmem>>
    %dma_start3A_105 = tpu.memref_squeeze %dma_start3A_104 : memref<1x128x64xf32, #tpu.memory_space<vmem>> -> memref<128x64xf32, #tpu.memory_space<vmem>>
    %dma_start3A_106 = arith.constant 0 : i32
    %dma_start3A_107 = tpu.memref_slice %arg5[%dma_start3A_99, %dma_start3A_106] : memref<158x128xi32, #tpu.memory_space<vmem>> -> memref<1x128xi32, #tpu.memory_space<vmem>>
    %dma_start3A_108 = tpu.memref_squeeze %dma_start3A_107 : memref<1x128xi32, #tpu.memory_space<vmem>> -> memref<128xi32, #tpu.memory_space<vmem>>
    %dma_start3A_109 = arith.constant 0 : i32
    %dma_start3A_110 = arith.constant 0 : i32
    %dma_start3A_111 = tpu.memref_slice %arg2[%dma_start3A_109, %dma_start3A_110] : memref<20000x64xf32, #tpu.memory_space<hbm>> -> memref<20000x64xf32, #tpu.memory_space<hbm>>
    %dma_start3A_112 = tpu.memref_slice %arg8[%dma_start3A_101] : memref<8x!tpu.dma_semaphore, #tpu.memory_space<semaphore_mem>> -> memref<1x!tpu.dma_semaphore, #tpu.memory_space<semaphore_mem>>
    %dma_start3A_113 = tpu.memref_squeeze %dma_start3A_112 : memref<1x!tpu.dma_semaphore, #tpu.memory_space<semaphore_mem>> -> memref<!tpu.dma_semaphore, #tpu.memory_space<semaphore_mem>>
    tpu.enqueue_indirect_dma source(%dma_start3A_111 : memref<20000x64xf32, #tpu.memory_space<hbm>>) target(%dma_start3A_105 : memref<128x64xf32, #tpu.memory_space<vmem>>) offsets(%dma_start3A_108 : memref<128xi32, #tpu.memory_space<vmem>>) semaphore(%dma_start3A_113 : memref<!tpu.dma_semaphore, #tpu.memory_space<semaphore_mem>>)
    %dma_start3A_114 = arith.constant 84 : i32
    %dma_start3A_115 = arith.constant 5 : i32
    %dma_start3A_116 = arith.constant 5 : i32
    %dma_start3A_117 = arith.constant 0 : i32
    %dma_start3A_118 = arith.constant 0 : i32
    %dma_start3A_119 = tpu.memref_slice %arg6[%dma_start3A_115, %dma_start3A_117, %dma_start3A_118] : memref<8x128x64xf32, #tpu.memory_space<vmem>> -> memref<1x128x64xf32, #tpu.memory_space<vmem>>
    %dma_start3A_120 = tpu.memref_squeeze %dma_start3A_119 : memref<1x128x64xf32, #tpu.memory_space<vmem>> -> memref<128x64xf32, #tpu.memory_space<vmem>>
    %dma_start3A_121 = arith.constant 0 : i32
    %dma_start3A_122 = tpu.memref_slice %arg5[%dma_start3A_114, %dma_start3A_121] : memref<158x128xi32, #tpu.memory_space<vmem>> -> memref<1x128xi32, #tpu.memory_space<vmem>>
    %dma_start3A_123 = tpu.memref_squeeze %dma_start3A_122 : memref<1x128xi32, #tpu.memory_space<vmem>> -> memref<128xi32, #tpu.memory_space<vmem>>
    %dma_start3A_124 = arith.constant 0 : i32
    %dma_start3A_125 = arith.constant 0 : i32
    %dma_start3A_126 = tpu.memref_slice %arg2[%dma_start3A_124, %dma_start3A_125] : memref<20000x64xf32, #tpu.memory_space<hbm>> -> memref<20000x64xf32, #tpu.memory_space<hbm>>
    %dma_start3A_127 = tpu.memref_slice %arg8[%dma_start3A_116] : memref<8x!tpu.dma_semaphore, #tpu.memory_space<semaphore_mem>> -> memref<1x!tpu.dma_semaphore, #tpu.memory_space<semaphore_mem>>
    %dma_start3A_128 = tpu.memref_squeeze %dma_start3A_127 : memref<1x!tpu.dma_semaphore, #tpu.memory_space<semaphore_mem>> -> memref<!tpu.dma_semaphore, #tpu.memory_space<semaphore_mem>>
    tpu.enqueue_indirect_dma source(%dma_start3A_126 : memref<20000x64xf32, #tpu.memory_space<hbm>>) target(%dma_start3A_120 : memref<128x64xf32, #tpu.memory_space<vmem>>) offsets(%dma_start3A_123 : memref<128xi32, #tpu.memory_space<vmem>>) semaphore(%dma_start3A_128 : memref<!tpu.dma_semaphore, #tpu.memory_space<semaphore_mem>>)
    %scan3A_129 = arith.constant 0 : i32
    %scan3A_130 = arith.constant 0 : i32
    %scan3A_131 = arith.constant 10 : i32
    %scan3A_132 = arith.addi %scan3A_130, %scan3A_131 : i32
    %scan3A_133 = arith.constant 1 : i32
    scf.for %scan3A_257 = %scan3A_130 to %scan3A_132 step %scan3A_133  : i32 {
      %mul3A_258 = arith.constant 8 : i32
      %mul3A_259 = arith.muli %scan3A_257, %mul3A_258 : i32
      %add3A_260 = arith.constant 0 : i32
      %add3A_261 = arith.addi %mul3A_259, %add3A_260 : i32
      %add3A_262 = arith.constant 6 : i32
      %add3A_263 = arith.addi %add3A_261, %add3A_262 : i32
      %lt3A = arith.cmpi slt, %add3A_261, %add3A_4 : i32
      %convert_element_type3A = arith.extui %lt3A : i1 to i32
      %cond3A = arith.constant 0 : i32
      %cond3A_264 = arith.cmpi ne, %convert_element_type3A, %cond3A : i32
      scf.if %cond3A_264 {
        %add3A_422 = arith.constant 79 : i32
        %add3A_423 = arith.addi %add3A_422, %add3A_261 : i32
        %dma_wait3A_424 = arith.constant 0 : i32
        %dma_wait3A_425 = arith.constant 0 : i32
        %dma_wait3A_426 = arith.constant 0 : i32
        %dma_wait3A_427 = arith.constant 0 : i32
        %dma_wait3A_428 = tpu.memref_slice %arg6[%dma_wait3A_424, %dma_wait3A_426, %dma_wait3A_427] : memref<8x128x64xf32, #tpu.memory_space<vmem>> -> memref<1x128x64xf32, #tpu.memory_space<vmem>>
        %dma_wait3A_429 = tpu.memref_squeeze %dma_wait3A_428 : memref<1x128x64xf32, #tpu.memory_space<vmem>> -> memref<128x64xf32, #tpu.memory_space<vmem>>
        %dma_wait3A_430 = arith.constant 0 : i32
        %dma_wait3A_431 = tpu.memref_slice %arg5[%add3A_423, %dma_wait3A_430] : memref<158x128xi32, #tpu.memory_space<vmem>> -> memref<1x128xi32, #tpu.memory_space<vmem>>
        %dma_wait3A_432 = tpu.memref_squeeze %dma_wait3A_431 : memref<1x128xi32, #tpu.memory_space<vmem>> -> memref<128xi32, #tpu.memory_space<vmem>>
        %dma_wait3A_433 = arith.constant 0 : i32
        %dma_wait3A_434 = arith.constant 0 : i32
        %dma_wait3A_435 = tpu.memref_slice %arg2[%dma_wait3A_433, %dma_wait3A_434] : memref<20000x64xf32, #tpu.memory_space<hbm>> -> memref<20000x64xf32, #tpu.memory_space<hbm>>
        %dma_wait3A_436 = tpu.memref_slice %arg8[%dma_wait3A_425] : memref<8x!tpu.dma_semaphore, #tpu.memory_space<semaphore_mem>> -> memref<1x!tpu.dma_semaphore, #tpu.memory_space<semaphore_mem>>
        %dma_wait3A_437 = tpu.memref_squeeze %dma_wait3A_436 : memref<1x!tpu.dma_semaphore, #tpu.memory_space<semaphore_mem>> -> memref<!tpu.dma_semaphore, #tpu.memory_space<semaphore_mem>>
        tpu.wait_indirect_dma semaphore(%dma_wait3A_437 : memref<!tpu.dma_semaphore, #tpu.memory_space<semaphore_mem>>) src(%dma_wait3A_435 : memref<20000x64xf32, #tpu.memory_space<hbm>>) dst(%dma_wait3A_429 : memref<128x64xf32, #tpu.memory_space<vmem>>)
        %dma_start3A_438 = arith.constant 0 : i32
        %dma_start3A_439 = arith.constant 0 : i32
        %dma_start3A_440 = arith.constant 0 : i32
        %dma_start3A_441 = arith.constant 0 : i32
        %dma_start3A_442 = tpu.memref_slice %arg6[%dma_start3A_438, %dma_start3A_440, %dma_start3A_441] : memref<8x128x64xf32, #tpu.memory_space<vmem>> -> memref<1x128x64xf32, #tpu.memory_space<vmem>>
        %dma_start3A_443 = tpu.memref_squeeze %dma_start3A_442 : memref<1x128x64xf32, #tpu.memory_space<vmem>> -> memref<128x64xf32, #tpu.memory_space<vmem>>
        %dma_start3A_444 = arith.constant 0 : i32
        %dma_start3A_445 = tpu.memref_slice %arg5[%add3A_261, %dma_start3A_444] : memref<158x128xi32, #tpu.memory_space<vmem>> -> memref<1x128xi32, #tpu.memory_space<vmem>>
        %dma_start3A_446 = tpu.memref_squeeze %dma_start3A_445 : memref<1x128xi32, #tpu.memory_space<vmem>> -> memref<128xi32, #tpu.memory_space<vmem>>
        %dma_start3A_447 = arith.constant 0 : i32
        %dma_start3A_448 = arith.constant 0 : i32
        %dma_start3A_449 = tpu.memref_slice %arg7[%dma_start3A_447, %dma_start3A_448] : memref<10240x64xf32, #tpu.memory_space<vmem_shared>> -> memref<10240x64xf32, #tpu.memory_space<vmem_shared>>
        %dma_start3A_450 = tpu.memref_slice %arg9[%dma_start3A_439] : memref<8x!tpu.dma_semaphore, #tpu.memory_space<semaphore_mem>> -> memref<1x!tpu.dma_semaphore, #tpu.memory_space<semaphore_mem>>
        %dma_start3A_451 = tpu.memref_squeeze %dma_start3A_450 : memref<1x!tpu.dma_semaphore, #tpu.memory_space<semaphore_mem>> -> memref<!tpu.dma_semaphore, #tpu.memory_space<semaphore_mem>>
        tpu.enqueue_indirect_dma source(%dma_start3A_443 : memref<128x64xf32, #tpu.memory_space<vmem>>) target(%dma_start3A_449 : memref<10240x64xf32, #tpu.memory_space<vmem_shared>>) offsets(%dma_start3A_446 : memref<128xi32, #tpu.memory_space<vmem>>) semaphore(%dma_start3A_451 : memref<!tpu.dma_semaphore, #tpu.memory_space<semaphore_mem>>) {add = true}
      } else {
      }
      %ge3A_265 = arith.constant 8 : i32
      %ge3A_266 = arith.cmpi sge, %add3A_263, %ge3A_265 : i32
      %lt3A_267 = arith.cmpi slt, %add3A_263, %add3A_4 : i32
      %and3A = arith.andi %ge3A_266, %lt3A_267 : i1
      %convert_element_type3A_268 = arith.extui %and3A : i1 to i32
      %cond3A_269 = arith.constant 0 : i32
      %cond3A_270 = arith.cmpi ne, %convert_element_type3A_268, %cond3A_269 : i32
      scf.if %cond3A_270 {
        %dma_wait3A_422 = arith.constant 6 : i32
        %dma_wait3A_423 = arith.constant 0 : i32
        %dma_wait3A_424 = arith.constant 6 : i32
        %dma_wait3A_425 = arith.constant 0 : i32
        %dma_wait3A_426 = arith.constant 0 : i32
        %dma_wait3A_427 = tpu.memref_slice %arg6[%dma_wait3A_422, %dma_wait3A_425, %dma_wait3A_426] : memref<8x128x64xf32, #tpu.memory_space<vmem>> -> memref<1x128x64xf32, #tpu.memory_space<vmem>>
        %dma_wait3A_428 = tpu.memref_squeeze %dma_wait3A_427 : memref<1x128x64xf32, #tpu.memory_space<vmem>> -> memref<128x64xf32, #tpu.memory_space<vmem>>
        %dma_wait3A_429 = arith.constant 0 : i32
        %dma_wait3A_430 = tpu.memref_slice %arg5[%dma_wait3A_423, %dma_wait3A_429] : memref<158x128xi32, #tpu.memory_space<vmem>> -> memref<1x128xi32, #tpu.memory_space<vmem>>
        %dma_wait3A_431 = tpu.memref_squeeze %dma_wait3A_430 : memref<1x128xi32, #tpu.memory_space<vmem>> -> memref<128xi32, #tpu.memory_space<vmem>>
        %dma_wait3A_432 = arith.constant 0 : i32
        %dma_wait3A_433 = arith.constant 0 : i32
        %dma_wait3A_434 = tpu.memref_slice %arg7[%dma_wait3A_432, %dma_wait3A_433] : memref<10240x64xf32, #tpu.memory_space<vmem_shared>> -> memref<10240x64xf32, #tpu.memory_space<vmem_shared>>
        %dma_wait3A_435 = tpu.memref_slice %arg9[%dma_wait3A_424] : memref<8x!tpu.dma_semaphore, #tpu.memory_space<semaphore_mem>> -> memref<1x!tpu.dma_semaphore, #tpu.memory_space<semaphore_mem>>
        %dma_wait3A_436 = tpu.memref_squeeze %dma_wait3A_435 : memref<1x!tpu.dma_semaphore, #tpu.memory_space<semaphore_mem>> -> memref<!tpu.dma_semaphore, #tpu.memory_space<semaphore_mem>>
        tpu.wait_indirect_dma semaphore(%dma_wait3A_436 : memref<!tpu.dma_semaphore, #tpu.memory_space<semaphore_mem>>) src(%dma_wait3A_428 : memref<128x64xf32, #tpu.memory_space<vmem>>) dst(%dma_wait3A_434 : memref<10240x64xf32, #tpu.memory_space<vmem_shared>>)
      } else {
      }
      %lt3A_271 = arith.cmpi slt, %add3A_263, %add3A_4 : i32
      %convert_element_type3A_272 = arith.extui %lt3A_271 : i1 to i32
      %cond3A_273 = arith.constant 0 : i32
      %cond3A_274 = arith.cmpi ne, %convert_element_type3A_272, %cond3A_273 : i32
      scf.if %cond3A_274 {
        %add3A_422 = arith.constant 79 : i32
        %add3A_423 = arith.addi %add3A_422, %add3A_263 : i32
        %dma_start3A_424 = arith.constant 6 : i32
        %dma_start3A_425 = arith.constant 6 : i32
        %dma_start3A_426 = arith.constant 0 : i32
        %dma_start3A_427 = arith.constant 0 : i32
        %dma_start3A_428 = tpu.memref_slice %arg6[%dma_start3A_424, %dma_start3A_426, %dma_start3A_427] : memref<8x128x64xf32, #tpu.memory_space<vmem>> -> memref<1x128x64xf32, #tpu.memory_space<vmem>>
        %dma_start3A_429 = tpu.memref_squeeze %dma_start3A_428 : memref<1x128x64xf32, #tpu.memory_space<vmem>> -> memref<128x64xf32, #tpu.memory_space<vmem>>
        %dma_start3A_430 = arith.constant 0 : i32
        %dma_start3A_431 = tpu.memref_slice %arg5[%add3A_423, %dma_start3A_430] : memref<158x128xi32, #tpu.memory_space<vmem>> -> memref<1x128xi32, #tpu.memory_space<vmem>>
        %dma_start3A_432 = tpu.memref_squeeze %dma_start3A_431 : memref<1x128xi32, #tpu.memory_space<vmem>> -> memref<128xi32, #tpu.memory_space<vmem>>
        %dma_start3A_433 = arith.constant 0 : i32
        %dma_start3A_434 = arith.constant 0 : i32
        %dma_start3A_435 = tpu.memref_slice %arg2[%dma_start3A_433, %dma_start3A_434] : memref<20000x64xf32, #tpu.memory_space<hbm>> -> memref<20000x64xf32, #tpu.memory_space<hbm>>
        %dma_start3A_436 = tpu.memref_slice %arg8[%dma_start3A_425] : memref<8x!tpu.dma_semaphore, #tpu.memory_space<semaphore_mem>> -> memref<1x!tpu.dma_semaphore, #tpu.memory_space<semaphore_mem>>
        %dma_start3A_437 = tpu.memref_squeeze %dma_start3A_436 : memref<1x!tpu.dma_semaphore, #tpu.memory_space<semaphore_mem>> -> memref<!tpu.dma_semaphore, #tpu.memory_space<semaphore_mem>>
        tpu.enqueue_indirect_dma source(%dma_start3A_435 : memref<20000x64xf32, #tpu.memory_space<hbm>>) target(%dma_start3A_429 : memref<128x64xf32, #tpu.memory_space<vmem>>) offsets(%dma_start3A_432 : memref<128xi32, #tpu.memory_space<vmem>>) semaphore(%dma_start3A_437 : memref<!tpu.dma_semaphore, #tpu.memory_space<semaphore_mem>>)
      } else {
      }
      %mul3A_275 = arith.constant 8 : i32
      %mul3A_276 = arith.muli %scan3A_257, %mul3A_275 : i32
      %add3A_277 = arith.constant 1 : i32
      %add3A_278 = arith.addi %mul3A_276, %add3A_277 : i32
      %add3A_279 = arith.constant 6 : i32
      %add3A_280 = arith.addi %add3A_278, %add3A_279 : i32
      %lt3A_281 = arith.cmpi slt, %add3A_278, %add3A_4 : i32
      %convert_element_type3A_282 = arith.extui %lt3A_281 : i1 to i32
      %cond3A_283 = arith.constant 0 : i32
      %cond3A_284 = arith.cmpi ne, %convert_element_type3A_282, %cond3A_283 : i32
      scf.if %cond3A_284 {
        %add3A_422 = arith.constant 79 : i32
        %add3A_423 = arith.addi %add3A_422, %add3A_278 : i32
        %dma_wait3A_424 = arith.constant 1 : i32
        %dma_wait3A_425 = arith.constant 1 : i32
        %dma_wait3A_426 = arith.constant 0 : i32
        %dma_wait3A_427 = arith.constant 0 : i32
        %dma_wait3A_428 = tpu.memref_slice %arg6[%dma_wait3A_424, %dma_wait3A_426, %dma_wait3A_427] : memref<8x128x64xf32, #tpu.memory_space<vmem>> -> memref<1x128x64xf32, #tpu.memory_space<vmem>>
        %dma_wait3A_429 = tpu.memref_squeeze %dma_wait3A_428 : memref<1x128x64xf32, #tpu.memory_space<vmem>> -> memref<128x64xf32, #tpu.memory_space<vmem>>
        %dma_wait3A_430 = arith.constant 0 : i32
        %dma_wait3A_431 = tpu.memref_slice %arg5[%add3A_423, %dma_wait3A_430] : memref<158x128xi32, #tpu.memory_space<vmem>> -> memref<1x128xi32, #tpu.memory_space<vmem>>
        %dma_wait3A_432 = tpu.memref_squeeze %dma_wait3A_431 : memref<1x128xi32, #tpu.memory_space<vmem>> -> memref<128xi32, #tpu.memory_space<vmem>>
        %dma_wait3A_433 = arith.constant 0 : i32
        %dma_wait3A_434 = arith.constant 0 : i32
        %dma_wait3A_435 = tpu.memref_slice %arg2[%dma_wait3A_433, %dma_wait3A_434] : memref<20000x64xf32, #tpu.memory_space<hbm>> -> memref<20000x64xf32, #tpu.memory_space<hbm>>
        %dma_wait3A_436 = tpu.memref_slice %arg8[%dma_wait3A_425] : memref<8x!tpu.dma_semaphore, #tpu.memory_space<semaphore_mem>> -> memref<1x!tpu.dma_semaphore, #tpu.memory_space<semaphore_mem>>
        %dma_wait3A_437 = tpu.memref_squeeze %dma_wait3A_436 : memref<1x!tpu.dma_semaphore, #tpu.memory_space<semaphore_mem>> -> memref<!tpu.dma_semaphore, #tpu.memory_space<semaphore_mem>>
        tpu.wait_indirect_dma semaphore(%dma_wait3A_437 : memref<!tpu.dma_semaphore, #tpu.memory_space<semaphore_mem>>) src(%dma_wait3A_435 : memref<20000x64xf32, #tpu.memory_space<hbm>>) dst(%dma_wait3A_429 : memref<128x64xf32, #tpu.memory_space<vmem>>)
        %dma_start3A_438 = arith.constant 1 : i32
        %dma_start3A_439 = arith.constant 1 : i32
        %dma_start3A_440 = arith.constant 0 : i32
        %dma_start3A_441 = arith.constant 0 : i32
        %dma_start3A_442 = tpu.memref_slice %arg6[%dma_start3A_438, %dma_start3A_440, %dma_start3A_441] : memref<8x128x64xf32, #tpu.memory_space<vmem>> -> memref<1x128x64xf32, #tpu.memory_space<vmem>>
        %dma_start3A_443 = tpu.memref_squeeze %dma_start3A_442 : memref<1x128x64xf32, #tpu.memory_space<vmem>> -> memref<128x64xf32, #tpu.memory_space<vmem>>
        %dma_start3A_444 = arith.constant 0 : i32
        %dma_start3A_445 = tpu.memref_slice %arg5[%add3A_278, %dma_start3A_444] : memref<158x128xi32, #tpu.memory_space<vmem>> -> memref<1x128xi32, #tpu.memory_space<vmem>>
        %dma_start3A_446 = tpu.memref_squeeze %dma_start3A_445 : memref<1x128xi32, #tpu.memory_space<vmem>> -> memref<128xi32, #tpu.memory_space<vmem>>
        %dma_start3A_447 = arith.constant 0 : i32
        %dma_start3A_448 = arith.constant 0 : i32
        %dma_start3A_449 = tpu.memref_slice %arg7[%dma_start3A_447, %dma_start3A_448] : memref<10240x64xf32, #tpu.memory_space<vmem_shared>> -> memref<10240x64xf32, #tpu.memory_space<vmem_shared>>
        %dma_start3A_450 = tpu.memref_slice %arg9[%dma_start3A_439] : memref<8x!tpu.dma_semaphore, #tpu.memory_space<semaphore_mem>> -> memref<1x!tpu.dma_semaphore, #tpu.memory_space<semaphore_mem>>
        %dma_start3A_451 = tpu.memref_squeeze %dma_start3A_450 : memref<1x!tpu.dma_semaphore, #tpu.memory_space<semaphore_mem>> -> memref<!tpu.dma_semaphore, #tpu.memory_space<semaphore_mem>>
        tpu.enqueue_indirect_dma source(%dma_start3A_443 : memref<128x64xf32, #tpu.memory_space<vmem>>) target(%dma_start3A_449 : memref<10240x64xf32, #tpu.memory_space<vmem_shared>>) offsets(%dma_start3A_446 : memref<128xi32, #tpu.memory_space<vmem>>) semaphore(%dma_start3A_451 : memref<!tpu.dma_semaphore, #tpu.memory_space<semaphore_mem>>) {add = true}
      } else {
      }
      %ge3A_285 = arith.constant 8 : i32
      %ge3A_286 = arith.cmpi sge, %add3A_280, %ge3A_285 : i32
      %lt3A_287 = arith.cmpi slt, %add3A_280, %add3A_4 : i32
      %and3A_288 = arith.andi %ge3A_286, %lt3A_287 : i1
      %convert_element_type3A_289 = arith.extui %and3A_288 : i1 to i32
      %cond3A_290 = arith.constant 0 : i32
      %cond3A_291 = arith.cmpi ne, %convert_element_type3A_289, %cond3A_290 : i32
      scf.if %cond3A_291 {
        %dma_wait3A_422 = arith.constant 7 : i32
        %dma_wait3A_423 = arith.constant 0 : i32
        %dma_wait3A_424 = arith.constant 7 : i32
        %dma_wait3A_425 = arith.constant 0 : i32
        %dma_wait3A_426 = arith.constant 0 : i32
        %dma_wait3A_427 = tpu.memref_slice %arg6[%dma_wait3A_422, %dma_wait3A_425, %dma_wait3A_426] : memref<8x128x64xf32, #tpu.memory_space<vmem>> -> memref<1x128x64xf32, #tpu.memory_space<vmem>>
        %dma_wait3A_428 = tpu.memref_squeeze %dma_wait3A_427 : memref<1x128x64xf32, #tpu.memory_space<vmem>> -> memref<128x64xf32, #tpu.memory_space<vmem>>
        %dma_wait3A_429 = arith.constant 0 : i32
        %dma_wait3A_430 = tpu.memref_slice %arg5[%dma_wait3A_423, %dma_wait3A_429] : memref<158x128xi32, #tpu.memory_space<vmem>> -> memref<1x128xi32, #tpu.memory_space<vmem>>
        %dma_wait3A_431 = tpu.memref_squeeze %dma_wait3A_430 : memref<1x128xi32, #tpu.memory_space<vmem>> -> memref<128xi32, #tpu.memory_space<vmem>>
        %dma_wait3A_432 = arith.constant 0 : i32
        %dma_wait3A_433 = arith.constant 0 : i32
        %dma_wait3A_434 = tpu.memref_slice %arg7[%dma_wait3A_432, %dma_wait3A_433] : memref<10240x64xf32, #tpu.memory_space<vmem_shared>> -> memref<10240x64xf32, #tpu.memory_space<vmem_shared>>
        %dma_wait3A_435 = tpu.memref_slice %arg9[%dma_wait3A_424] : memref<8x!tpu.dma_semaphore, #tpu.memory_space<semaphore_mem>> -> memref<1x!tpu.dma_semaphore, #tpu.memory_space<semaphore_mem>>
        %dma_wait3A_436 = tpu.memref_squeeze %dma_wait3A_435 : memref<1x!tpu.dma_semaphore, #tpu.memory_space<semaphore_mem>> -> memref<!tpu.dma_semaphore, #tpu.memory_space<semaphore_mem>>
        tpu.wait_indirect_dma semaphore(%dma_wait3A_436 : memref<!tpu.dma_semaphore, #tpu.memory_space<semaphore_mem>>) src(%dma_wait3A_428 : memref<128x64xf32, #tpu.memory_space<vmem>>) dst(%dma_wait3A_434 : memref<10240x64xf32, #tpu.memory_space<vmem_shared>>)
      } else {
      }
      %lt3A_292 = arith.cmpi slt, %add3A_280, %add3A_4 : i32
      %convert_element_type3A_293 = arith.extui %lt3A_292 : i1 to i32
      %cond3A_294 = arith.constant 0 : i32
      %cond3A_295 = arith.cmpi ne, %convert_element_type3A_293, %cond3A_294 : i32
      scf.if %cond3A_295 {
        %add3A_422 = arith.constant 79 : i32
        %add3A_423 = arith.addi %add3A_422, %add3A_280 : i32
        %dma_start3A_424 = arith.constant 7 : i32
        %dma_start3A_425 = arith.constant 7 : i32
        %dma_start3A_426 = arith.constant 0 : i32
        %dma_start3A_427 = arith.constant 0 : i32
        %dma_start3A_428 = tpu.memref_slice %arg6[%dma_start3A_424, %dma_start3A_426, %dma_start3A_427] : memref<8x128x64xf32, #tpu.memory_space<vmem>> -> memref<1x128x64xf32, #tpu.memory_space<vmem>>
        %dma_start3A_429 = tpu.memref_squeeze %dma_start3A_428 : memref<1x128x64xf32, #tpu.memory_space<vmem>> -> memref<128x64xf32, #tpu.memory_space<vmem>>
        %dma_start3A_430 = arith.constant 0 : i32
        %dma_start3A_431 = tpu.memref_slice %arg5[%add3A_423, %dma_start3A_430] : memref<158x128xi32, #tpu.memory_space<vmem>> -> memref<1x128xi32, #tpu.memory_space<vmem>>
        %dma_start3A_432 = tpu.memref_squeeze %dma_start3A_431 : memref<1x128xi32, #tpu.memory_space<vmem>> -> memref<128xi32, #tpu.memory_space<vmem>>
        %dma_start3A_433 = arith.constant 0 : i32
        %dma_start3A_434 = arith.constant 0 : i32
        %dma_start3A_435 = tpu.memref_slice %arg2[%dma_start3A_433, %dma_start3A_434] : memref<20000x64xf32, #tpu.memory_space<hbm>> -> memref<20000x64xf32, #tpu.memory_space<hbm>>
        %dma_start3A_436 = tpu.memref_slice %arg8[%dma_start3A_425] : memref<8x!tpu.dma_semaphore, #tpu.memory_space<semaphore_mem>> -> memref<1x!tpu.dma_semaphore, #tpu.memory_space<semaphore_mem>>
        %dma_start3A_437 = tpu.memref_squeeze %dma_start3A_436 : memref<1x!tpu.dma_semaphore, #tpu.memory_space<semaphore_mem>> -> memref<!tpu.dma_semaphore, #tpu.memory_space<semaphore_mem>>
        tpu.enqueue_indirect_dma source(%dma_start3A_435 : memref<20000x64xf32, #tpu.memory_space<hbm>>) target(%dma_start3A_429 : memref<128x64xf32, #tpu.memory_space<vmem>>) offsets(%dma_start3A_432 : memref<128xi32, #tpu.memory_space<vmem>>) semaphore(%dma_start3A_437 : memref<!tpu.dma_semaphore, #tpu.memory_space<semaphore_mem>>)
      } else {
      }
      %mul3A_296 = arith.constant 8 : i32
      %mul3A_297 = arith.muli %scan3A_257, %mul3A_296 : i32
      %add3A_298 = arith.constant 2 : i32
      %add3A_299 = arith.addi %mul3A_297, %add3A_298 : i32
      %add3A_300 = arith.constant 6 : i32
      %add3A_301 = arith.addi %add3A_299, %add3A_300 : i32
      %lt3A_302 = arith.cmpi slt, %add3A_299, %add3A_4 : i32
      %convert_element_type3A_303 = arith.extui %lt3A_302 : i1 to i32
      %cond3A_304 = arith.constant 0 : i32
      %cond3A_305 = arith.cmpi ne, %convert_element_type3A_303, %cond3A_304 : i32
      scf.if %cond3A_305 {
        %add3A_422 = arith.constant 79 : i32
        %add3A_423 = arith.addi %add3A_422, %add3A_299 : i32
        %dma_wait3A_424 = arith.constant 2 : i32
        %dma_wait3A_425 = arith.constant 2 : i32
        %dma_wait3A_426 = arith.constant 0 : i32
        %dma_wait3A_427 = arith.constant 0 : i32
        %dma_wait3A_428 = tpu.memref_slice %arg6[%dma_wait3A_424, %dma_wait3A_426, %dma_wait3A_427] : memref<8x128x64xf32, #tpu.memory_space<vmem>> -> memref<1x128x64xf32, #tpu.memory_space<vmem>>
        %dma_wait3A_429 = tpu.memref_squeeze %dma_wait3A_428 : memref<1x128x64xf32, #tpu.memory_space<vmem>> -> memref<128x64xf32, #tpu.memory_space<vmem>>
        %dma_wait3A_430 = arith.constant 0 : i32
        %dma_wait3A_431 = tpu.memref_slice %arg5[%add3A_423, %dma_wait3A_430] : memref<158x128xi32, #tpu.memory_space<vmem>> -> memref<1x128xi32, #tpu.memory_space<vmem>>
        %dma_wait3A_432 = tpu.memref_squeeze %dma_wait3A_431 : memref<1x128xi32, #tpu.memory_space<vmem>> -> memref<128xi32, #tpu.memory_space<vmem>>
        %dma_wait3A_433 = arith.constant 0 : i32
        %dma_wait3A_434 = arith.constant 0 : i32
        %dma_wait3A_435 = tpu.memref_slice %arg2[%dma_wait3A_433, %dma_wait3A_434] : memref<20000x64xf32, #tpu.memory_space<hbm>> -> memref<20000x64xf32, #tpu.memory_space<hbm>>
        %dma_wait3A_436 = tpu.memref_slice %arg8[%dma_wait3A_425] : memref<8x!tpu.dma_semaphore, #tpu.memory_space<semaphore_mem>> -> memref<1x!tpu.dma_semaphore, #tpu.memory_space<semaphore_mem>>
        %dma_wait3A_437 = tpu.memref_squeeze %dma_wait3A_436 : memref<1x!tpu.dma_semaphore, #tpu.memory_space<semaphore_mem>> -> memref<!tpu.dma_semaphore, #tpu.memory_space<semaphore_mem>>
        tpu.wait_indirect_dma semaphore(%dma_wait3A_437 : memref<!tpu.dma_semaphore, #tpu.memory_space<semaphore_mem>>) src(%dma_wait3A_435 : memref<20000x64xf32, #tpu.memory_space<hbm>>) dst(%dma_wait3A_429 : memref<128x64xf32, #tpu.memory_space<vmem>>)
        %dma_start3A_438 = arith.constant 2 : i32
        %dma_start3A_439 = arith.constant 2 : i32
        %dma_start3A_440 = arith.constant 0 : i32
        %dma_start3A_441 = arith.constant 0 : i32
        %dma_start3A_442 = tpu.memref_slice %arg6[%dma_start3A_438, %dma_start3A_440, %dma_start3A_441] : memref<8x128x64xf32, #tpu.memory_space<vmem>> -> memref<1x128x64xf32, #tpu.memory_space<vmem>>
        %dma_start3A_443 = tpu.memref_squeeze %dma_start3A_442 : memref<1x128x64xf32, #tpu.memory_space<vmem>> -> memref<128x64xf32, #tpu.memory_space<vmem>>
        %dma_start3A_444 = arith.constant 0 : i32
        %dma_start3A_445 = tpu.memref_slice %arg5[%add3A_299, %dma_start3A_444] : memref<158x128xi32, #tpu.memory_space<vmem>> -> memref<1x128xi32, #tpu.memory_space<vmem>>
        %dma_start3A_446 = tpu.memref_squeeze %dma_start3A_445 : memref<1x128xi32, #tpu.memory_space<vmem>> -> memref<128xi32, #tpu.memory_space<vmem>>
        %dma_start3A_447 = arith.constant 0 : i32
        %dma_start3A_448 = arith.constant 0 : i32
        %dma_start3A_449 = tpu.memref_slice %arg7[%dma_start3A_447, %dma_start3A_448] : memref<10240x64xf32, #tpu.memory_space<vmem_shared>> -> memref<10240x64xf32, #tpu.memory_space<vmem_shared>>
        %dma_start3A_450 = tpu.memref_slice %arg9[%dma_start3A_439] : memref<8x!tpu.dma_semaphore, #tpu.memory_space<semaphore_mem>> -> memref<1x!tpu.dma_semaphore, #tpu.memory_space<semaphore_mem>>
        %dma_start3A_451 = tpu.memref_squeeze %dma_start3A_450 : memref<1x!tpu.dma_semaphore, #tpu.memory_space<semaphore_mem>> -> memref<!tpu.dma_semaphore, #tpu.memory_space<semaphore_mem>>
        tpu.enqueue_indirect_dma source(%dma_start3A_443 : memref<128x64xf32, #tpu.memory_space<vmem>>) target(%dma_start3A_449 : memref<10240x64xf32, #tpu.memory_space<vmem_shared>>) offsets(%dma_start3A_446 : memref<128xi32, #tpu.memory_space<vmem>>) semaphore(%dma_start3A_451 : memref<!tpu.dma_semaphore, #tpu.memory_space<semaphore_mem>>) {add = true}
      } else {
      }
      %ge3A_306 = arith.constant 8 : i32
      %ge3A_307 = arith.cmpi sge, %add3A_301, %ge3A_306 : i32
      %lt3A_308 = arith.cmpi slt, %add3A_301, %add3A_4 : i32
      %and3A_309 = arith.andi %ge3A_307, %lt3A_308 : i1
      %convert_element_type3A_310 = arith.extui %and3A_309 : i1 to i32
      %cond3A_311 = arith.constant 0 : i32
      %cond3A_312 = arith.cmpi ne, %convert_element_type3A_310, %cond3A_311 : i32
      scf.if %cond3A_312 {
        %dma_wait3A_422 = arith.constant 0 : i32
        %dma_wait3A_423 = arith.constant 0 : i32
        %dma_wait3A_424 = arith.constant 0 : i32
        %dma_wait3A_425 = arith.constant 0 : i32
        %dma_wait3A_426 = arith.constant 0 : i32
        %dma_wait3A_427 = tpu.memref_slice %arg6[%dma_wait3A_422, %dma_wait3A_425, %dma_wait3A_426] : memref<8x128x64xf32, #tpu.memory_space<vmem>> -> memref<1x128x64xf32, #tpu.memory_space<vmem>>
        %dma_wait3A_428 = tpu.memref_squeeze %dma_wait3A_427 : memref<1x128x64xf32, #tpu.memory_space<vmem>> -> memref<128x64xf32, #tpu.memory_space<vmem>>
        %dma_wait3A_429 = arith.constant 0 : i32
        %dma_wait3A_430 = tpu.memref_slice %arg5[%dma_wait3A_423, %dma_wait3A_429] : memref<158x128xi32, #tpu.memory_space<vmem>> -> memref<1x128xi32, #tpu.memory_space<vmem>>
        %dma_wait3A_431 = tpu.memref_squeeze %dma_wait3A_430 : memref<1x128xi32, #tpu.memory_space<vmem>> -> memref<128xi32, #tpu.memory_space<vmem>>
        %dma_wait3A_432 = arith.constant 0 : i32
        %dma_wait3A_433 = arith.constant 0 : i32
        %dma_wait3A_434 = tpu.memref_slice %arg7[%dma_wait3A_432, %dma_wait3A_433] : memref<10240x64xf32, #tpu.memory_space<vmem_shared>> -> memref<10240x64xf32, #tpu.memory_space<vmem_shared>>
        %dma_wait3A_435 = tpu.memref_slice %arg9[%dma_wait3A_424] : memref<8x!tpu.dma_semaphore, #tpu.memory_space<semaphore_mem>> -> memref<1x!tpu.dma_semaphore, #tpu.memory_space<semaphore_mem>>
        %dma_wait3A_436 = tpu.memref_squeeze %dma_wait3A_435 : memref<1x!tpu.dma_semaphore, #tpu.memory_space<semaphore_mem>> -> memref<!tpu.dma_semaphore, #tpu.memory_space<semaphore_mem>>
        tpu.wait_indirect_dma semaphore(%dma_wait3A_436 : memref<!tpu.dma_semaphore, #tpu.memory_space<semaphore_mem>>) src(%dma_wait3A_428 : memref<128x64xf32, #tpu.memory_space<vmem>>) dst(%dma_wait3A_434 : memref<10240x64xf32, #tpu.memory_space<vmem_shared>>)
      } else {
      }
      %lt3A_313 = arith.cmpi slt, %add3A_301, %add3A_4 : i32
      %convert_element_type3A_314 = arith.extui %lt3A_313 : i1 to i32
      %cond3A_315 = arith.constant 0 : i32
      %cond3A_316 = arith.cmpi ne, %convert_element_type3A_314, %cond3A_315 : i32
      scf.if %cond3A_316 {
        %add3A_422 = arith.constant 79 : i32
        %add3A_423 = arith.addi %add3A_422, %add3A_301 : i32
        %dma_start3A_424 = arith.constant 0 : i32
        %dma_start3A_425 = arith.constant 0 : i32
        %dma_start3A_426 = arith.constant 0 : i32
        %dma_start3A_427 = arith.constant 0 : i32
        %dma_start3A_428 = tpu.memref_slice %arg6[%dma_start3A_424, %dma_start3A_426, %dma_start3A_427] : memref<8x128x64xf32, #tpu.memory_space<vmem>> -> memref<1x128x64xf32, #tpu.memory_space<vmem>>
        %dma_start3A_429 = tpu.memref_squeeze %dma_start3A_428 : memref<1x128x64xf32, #tpu.memory_space<vmem>> -> memref<128x64xf32, #tpu.memory_space<vmem>>
        %dma_start3A_430 = arith.constant 0 : i32
        %dma_start3A_431 = tpu.memref_slice %arg5[%add3A_423, %dma_start3A_430] : memref<158x128xi32, #tpu.memory_space<vmem>> -> memref<1x128xi32, #tpu.memory_space<vmem>>
        %dma_start3A_432 = tpu.memref_squeeze %dma_start3A_431 : memref<1x128xi32, #tpu.memory_space<vmem>> -> memref<128xi32, #tpu.memory_space<vmem>>
        %dma_start3A_433 = arith.constant 0 : i32
        %dma_start3A_434 = arith.constant 0 : i32
        %dma_start3A_435 = tpu.memref_slice %arg2[%dma_start3A_433, %dma_start3A_434] : memref<20000x64xf32, #tpu.memory_space<hbm>> -> memref<20000x64xf32, #tpu.memory_space<hbm>>
        %dma_start3A_436 = tpu.memref_slice %arg8[%dma_start3A_425] : memref<8x!tpu.dma_semaphore, #tpu.memory_space<semaphore_mem>> -> memref<1x!tpu.dma_semaphore, #tpu.memory_space<semaphore_mem>>
        %dma_start3A_437 = tpu.memref_squeeze %dma_start3A_436 : memref<1x!tpu.dma_semaphore, #tpu.memory_space<semaphore_mem>> -> memref<!tpu.dma_semaphore, #tpu.memory_space<semaphore_mem>>
        tpu.enqueue_indirect_dma source(%dma_start3A_435 : memref<20000x64xf32, #tpu.memory_space<hbm>>) target(%dma_start3A_429 : memref<128x64xf32, #tpu.memory_space<vmem>>) offsets(%dma_start3A_432 : memref<128xi32, #tpu.memory_space<vmem>>) semaphore(%dma_start3A_437 : memref<!tpu.dma_semaphore, #tpu.memory_space<semaphore_mem>>)
      } else {
      }
      %mul3A_317 = arith.constant 8 : i32
      %mul3A_318 = arith.muli %scan3A_257, %mul3A_317 : i32
      %add3A_319 = arith.constant 3 : i32
      %add3A_320 = arith.addi %mul3A_318, %add3A_319 : i32
      %add3A_321 = arith.constant 6 : i32
      %add3A_322 = arith.addi %add3A_320, %add3A_321 : i32
      %lt3A_323 = arith.cmpi slt, %add3A_320, %add3A_4 : i32
      %convert_element_type3A_324 = arith.extui %lt3A_323 : i1 to i32
      %cond3A_325 = arith.constant 0 : i32
      %cond3A_326 = arith.cmpi ne, %convert_element_type3A_324, %cond3A_325 : i32
      scf.if %cond3A_326 {
        %add3A_422 = arith.constant 79 : i32
        %add3A_423 = arith.addi %add3A_422, %add3A_320 : i32
        %dma_wait3A_424 = arith.constant 3 : i32
        %dma_wait3A_425 = arith.constant 3 : i32
        %dma_wait3A_426 = arith.constant 0 : i32
        %dma_wait3A_427 = arith.constant 0 : i32
        %dma_wait3A_428 = tpu.memref_slice %arg6[%dma_wait3A_424, %dma_wait3A_426, %dma_wait3A_427] : memref<8x128x64xf32, #tpu.memory_space<vmem>> -> memref<1x128x64xf32, #tpu.memory_space<vmem>>
        %dma_wait3A_429 = tpu.memref_squeeze %dma_wait3A_428 : memref<1x128x64xf32, #tpu.memory_space<vmem>> -> memref<128x64xf32, #tpu.memory_space<vmem>>
        %dma_wait3A_430 = arith.constant 0 : i32
        %dma_wait3A_431 = tpu.memref_slice %arg5[%add3A_423, %dma_wait3A_430] : memref<158x128xi32, #tpu.memory_space<vmem>> -> memref<1x128xi32, #tpu.memory_space<vmem>>
        %dma_wait3A_432 = tpu.memref_squeeze %dma_wait3A_431 : memref<1x128xi32, #tpu.memory_space<vmem>> -> memref<128xi32, #tpu.memory_space<vmem>>
        %dma_wait3A_433 = arith.constant 0 : i32
        %dma_wait3A_434 = arith.constant 0 : i32
        %dma_wait3A_435 = tpu.memref_slice %arg2[%dma_wait3A_433, %dma_wait3A_434] : memref<20000x64xf32, #tpu.memory_space<hbm>> -> memref<20000x64xf32, #tpu.memory_space<hbm>>
        %dma_wait3A_436 = tpu.memref_slice %arg8[%dma_wait3A_425] : memref<8x!tpu.dma_semaphore, #tpu.memory_space<semaphore_mem>> -> memref<1x!tpu.dma_semaphore, #tpu.memory_space<semaphore_mem>>
        %dma_wait3A_437 = tpu.memref_squeeze %dma_wait3A_436 : memref<1x!tpu.dma_semaphore, #tpu.memory_space<semaphore_mem>> -> memref<!tpu.dma_semaphore, #tpu.memory_space<semaphore_mem>>
        tpu.wait_indirect_dma semaphore(%dma_wait3A_437 : memref<!tpu.dma_semaphore, #tpu.memory_space<semaphore_mem>>) src(%dma_wait3A_435 : memref<20000x64xf32, #tpu.memory_space<hbm>>) dst(%dma_wait3A_429 : memref<128x64xf32, #tpu.memory_space<vmem>>)
        %dma_start3A_438 = arith.constant 3 : i32
        %dma_start3A_439 = arith.constant 3 : i32
        %dma_start3A_440 = arith.constant 0 : i32
        %dma_start3A_441 = arith.constant 0 : i32
        %dma_start3A_442 = tpu.memref_slice %arg6[%dma_start3A_438, %dma_start3A_440, %dma_start3A_441] : memref<8x128x64xf32, #tpu.memory_space<vmem>> -> memref<1x128x64xf32, #tpu.memory_space<vmem>>
        %dma_start3A_443 = tpu.memref_squeeze %dma_start3A_442 : memref<1x128x64xf32, #tpu.memory_space<vmem>> -> memref<128x64xf32, #tpu.memory_space<vmem>>
        %dma_start3A_444 = arith.constant 0 : i32
        %dma_start3A_445 = tpu.memref_slice %arg5[%add3A_320, %dma_start3A_444] : memref<158x128xi32, #tpu.memory_space<vmem>> -> memref<1x128xi32, #tpu.memory_space<vmem>>
        %dma_start3A_446 = tpu.memref_squeeze %dma_start3A_445 : memref<1x128xi32, #tpu.memory_space<vmem>> -> memref<128xi32, #tpu.memory_space<vmem>>
        %dma_start3A_447 = arith.constant 0 : i32
        %dma_start3A_448 = arith.constant 0 : i32
        %dma_start3A_449 = tpu.memref_slice %arg7[%dma_start3A_447, %dma_start3A_448] : memref<10240x64xf32, #tpu.memory_space<vmem_shared>> -> memref<10240x64xf32, #tpu.memory_space<vmem_shared>>
        %dma_start3A_450 = tpu.memref_slice %arg9[%dma_start3A_439] : memref<8x!tpu.dma_semaphore, #tpu.memory_space<semaphore_mem>> -> memref<1x!tpu.dma_semaphore, #tpu.memory_space<semaphore_mem>>
        %dma_start3A_451 = tpu.memref_squeeze %dma_start3A_450 : memref<1x!tpu.dma_semaphore, #tpu.memory_space<semaphore_mem>> -> memref<!tpu.dma_semaphore, #tpu.memory_space<semaphore_mem>>
        tpu.enqueue_indirect_dma source(%dma_start3A_443 : memref<128x64xf32, #tpu.memory_space<vmem>>) target(%dma_start3A_449 : memref<10240x64xf32, #tpu.memory_space<vmem_shared>>) offsets(%dma_start3A_446 : memref<128xi32, #tpu.memory_space<vmem>>) semaphore(%dma_start3A_451 : memref<!tpu.dma_semaphore, #tpu.memory_space<semaphore_mem>>) {add = true}
      } else {
      }
      %ge3A_327 = arith.constant 8 : i32
      %ge3A_328 = arith.cmpi sge, %add3A_322, %ge3A_327 : i32
      %lt3A_329 = arith.cmpi slt, %add3A_322, %add3A_4 : i32
      %and3A_330 = arith.andi %ge3A_328, %lt3A_329 : i1
      %convert_element_type3A_331 = arith.extui %and3A_330 : i1 to i32
      %cond3A_332 = arith.constant 0 : i32
      %cond3A_333 = arith.cmpi ne, %convert_element_type3A_331, %cond3A_332 : i32
      scf.if %cond3A_333 {
        %dma_wait3A_422 = arith.constant 1 : i32
        %dma_wait3A_423 = arith.constant 0 : i32
        %dma_wait3A_424 = arith.constant 1 : i32
        %dma_wait3A_425 = arith.constant 0 : i32
        %dma_wait3A_426 = arith.constant 0 : i32
        %dma_wait3A_427 = tpu.memref_slice %arg6[%dma_wait3A_422, %dma_wait3A_425, %dma_wait3A_426] : memref<8x128x64xf32, #tpu.memory_space<vmem>> -> memref<1x128x64xf32, #tpu.memory_space<vmem>>
        %dma_wait3A_428 = tpu.memref_squeeze %dma_wait3A_427 : memref<1x128x64xf32, #tpu.memory_space<vmem>> -> memref<128x64xf32, #tpu.memory_space<vmem>>
        %dma_wait3A_429 = arith.constant 0 : i32
        %dma_wait3A_430 = tpu.memref_slice %arg5[%dma_wait3A_423, %dma_wait3A_429] : memref<158x128xi32, #tpu.memory_space<vmem>> -> memref<1x128xi32, #tpu.memory_space<vmem>>
        %dma_wait3A_431 = tpu.memref_squeeze %dma_wait3A_430 : memref<1x128xi32, #tpu.memory_space<vmem>> -> memref<128xi32, #tpu.memory_space<vmem>>
        %dma_wait3A_432 = arith.constant 0 : i32
        %dma_wait3A_433 = arith.constant 0 : i32
        %dma_wait3A_434 = tpu.memref_slice %arg7[%dma_wait3A_432, %dma_wait3A_433] : memref<10240x64xf32, #tpu.memory_space<vmem_shared>> -> memref<10240x64xf32, #tpu.memory_space<vmem_shared>>
        %dma_wait3A_435 = tpu.memref_slice %arg9[%dma_wait3A_424] : memref<8x!tpu.dma_semaphore, #tpu.memory_space<semaphore_mem>> -> memref<1x!tpu.dma_semaphore, #tpu.memory_space<semaphore_mem>>
        %dma_wait3A_436 = tpu.memref_squeeze %dma_wait3A_435 : memref<1x!tpu.dma_semaphore, #tpu.memory_space<semaphore_mem>> -> memref<!tpu.dma_semaphore, #tpu.memory_space<semaphore_mem>>
        tpu.wait_indirect_dma semaphore(%dma_wait3A_436 : memref<!tpu.dma_semaphore, #tpu.memory_space<semaphore_mem>>) src(%dma_wait3A_428 : memref<128x64xf32, #tpu.memory_space<vmem>>) dst(%dma_wait3A_434 : memref<10240x64xf32, #tpu.memory_space<vmem_shared>>)
      } else {
      }
      %lt3A_334 = arith.cmpi slt, %add3A_322, %add3A_4 : i32
      %convert_element_type3A_335 = arith.extui %lt3A_334 : i1 to i32
      %cond3A_336 = arith.constant 0 : i32
      %cond3A_337 = arith.cmpi ne, %convert_element_type3A_335, %cond3A_336 : i32
      scf.if %cond3A_337 {
        %add3A_422 = arith.constant 79 : i32
        %add3A_423 = arith.addi %add3A_422, %add3A_322 : i32
        %dma_start3A_424 = arith.constant 1 : i32
        %dma_start3A_425 = arith.constant 1 : i32
        %dma_start3A_426 = arith.constant 0 : i32
        %dma_start3A_427 = arith.constant 0 : i32
        %dma_start3A_428 = tpu.memref_slice %arg6[%dma_start3A_424, %dma_start3A_426, %dma_start3A_427] : memref<8x128x64xf32, #tpu.memory_space<vmem>> -> memref<1x128x64xf32, #tpu.memory_space<vmem>>
        %dma_start3A_429 = tpu.memref_squeeze %dma_start3A_428 : memref<1x128x64xf32, #tpu.memory_space<vmem>> -> memref<128x64xf32, #tpu.memory_space<vmem>>
        %dma_start3A_430 = arith.constant 0 : i32
        %dma_start3A_431 = tpu.memref_slice %arg5[%add3A_423, %dma_start3A_430] : memref<158x128xi32, #tpu.memory_space<vmem>> -> memref<1x128xi32, #tpu.memory_space<vmem>>
        %dma_start3A_432 = tpu.memref_squeeze %dma_start3A_431 : memref<1x128xi32, #tpu.memory_space<vmem>> -> memref<128xi32, #tpu.memory_space<vmem>>
        %dma_start3A_433 = arith.constant 0 : i32
        %dma_start3A_434 = arith.constant 0 : i32
        %dma_start3A_435 = tpu.memref_slice %arg2[%dma_start3A_433, %dma_start3A_434] : memref<20000x64xf32, #tpu.memory_space<hbm>> -> memref<20000x64xf32, #tpu.memory_space<hbm>>
        %dma_start3A_436 = tpu.memref_slice %arg8[%dma_start3A_425] : memref<8x!tpu.dma_semaphore, #tpu.memory_space<semaphore_mem>> -> memref<1x!tpu.dma_semaphore, #tpu.memory_space<semaphore_mem>>
        %dma_start3A_437 = tpu.memref_squeeze %dma_start3A_436 : memref<1x!tpu.dma_semaphore, #tpu.memory_space<semaphore_mem>> -> memref<!tpu.dma_semaphore, #tpu.memory_space<semaphore_mem>>
        tpu.enqueue_indirect_dma source(%dma_start3A_435 : memref<20000x64xf32, #tpu.memory_space<hbm>>) target(%dma_start3A_429 : memref<128x64xf32, #tpu.memory_space<vmem>>) offsets(%dma_start3A_432 : memref<128xi32, #tpu.memory_space<vmem>>) semaphore(%dma_start3A_437 : memref<!tpu.dma_semaphore, #tpu.memory_space<semaphore_mem>>)
      } else {
      }
      %mul3A_338 = arith.constant 8 : i32
      %mul3A_339 = arith.muli %scan3A_257, %mul3A_338 : i32
      %add3A_340 = arith.constant 4 : i32
      %add3A_341 = arith.addi %mul3A_339, %add3A_340 : i32
      %add3A_342 = arith.constant 6 : i32
      %add3A_343 = arith.addi %add3A_341, %add3A_342 : i32
      %lt3A_344 = arith.cmpi slt, %add3A_341, %add3A_4 : i32
      %convert_element_type3A_345 = arith.extui %lt3A_344 : i1 to i32
      %cond3A_346 = arith.constant 0 : i32
      %cond3A_347 = arith.cmpi ne, %convert_element_type3A_345, %cond3A_346 : i32
      scf.if %cond3A_347 {
        %add3A_422 = arith.constant 79 : i32
        %add3A_423 = arith.addi %add3A_422, %add3A_341 : i32
        %dma_wait3A_424 = arith.constant 4 : i32
        %dma_wait3A_425 = arith.constant 4 : i32
        %dma_wait3A_426 = arith.constant 0 : i32
        %dma_wait3A_427 = arith.constant 0 : i32
        %dma_wait3A_428 = tpu.memref_slice %arg6[%dma_wait3A_424, %dma_wait3A_426, %dma_wait3A_427] : memref<8x128x64xf32, #tpu.memory_space<vmem>> -> memref<1x128x64xf32, #tpu.memory_space<vmem>>
        %dma_wait3A_429 = tpu.memref_squeeze %dma_wait3A_428 : memref<1x128x64xf32, #tpu.memory_space<vmem>> -> memref<128x64xf32, #tpu.memory_space<vmem>>
        %dma_wait3A_430 = arith.constant 0 : i32
        %dma_wait3A_431 = tpu.memref_slice %arg5[%add3A_423, %dma_wait3A_430] : memref<158x128xi32, #tpu.memory_space<vmem>> -> memref<1x128xi32, #tpu.memory_space<vmem>>
        %dma_wait3A_432 = tpu.memref_squeeze %dma_wait3A_431 : memref<1x128xi32, #tpu.memory_space<vmem>> -> memref<128xi32, #tpu.memory_space<vmem>>
        %dma_wait3A_433 = arith.constant 0 : i32
        %dma_wait3A_434 = arith.constant 0 : i32
        %dma_wait3A_435 = tpu.memref_slice %arg2[%dma_wait3A_433, %dma_wait3A_434] : memref<20000x64xf32, #tpu.memory_space<hbm>> -> memref<20000x64xf32, #tpu.memory_space<hbm>>
        %dma_wait3A_436 = tpu.memref_slice %arg8[%dma_wait3A_425] : memref<8x!tpu.dma_semaphore, #tpu.memory_space<semaphore_mem>> -> memref<1x!tpu.dma_semaphore, #tpu.memory_space<semaphore_mem>>
        %dma_wait3A_437 = tpu.memref_squeeze %dma_wait3A_436 : memref<1x!tpu.dma_semaphore, #tpu.memory_space<semaphore_mem>> -> memref<!tpu.dma_semaphore, #tpu.memory_space<semaphore_mem>>
        tpu.wait_indirect_dma semaphore(%dma_wait3A_437 : memref<!tpu.dma_semaphore, #tpu.memory_space<semaphore_mem>>) src(%dma_wait3A_435 : memref<20000x64xf32, #tpu.memory_space<hbm>>) dst(%dma_wait3A_429 : memref<128x64xf32, #tpu.memory_space<vmem>>)
        %dma_start3A_438 = arith.constant 4 : i32
        %dma_start3A_439 = arith.constant 4 : i32
        %dma_start3A_440 = arith.constant 0 : i32
        %dma_start3A_441 = arith.constant 0 : i32
        %dma_start3A_442 = tpu.memref_slice %arg6[%dma_start3A_438, %dma_start3A_440, %dma_start3A_441] : memref<8x128x64xf32, #tpu.memory_space<vmem>> -> memref<1x128x64xf32, #tpu.memory_space<vmem>>
        %dma_start3A_443 = tpu.memref_squeeze %dma_start3A_442 : memref<1x128x64xf32, #tpu.memory_space<vmem>> -> memref<128x64xf32, #tpu.memory_space<vmem>>
        %dma_start3A_444 = arith.constant 0 : i32
        %dma_start3A_445 = tpu.memref_slice %arg5[%add3A_341, %dma_start3A_444] : memref<158x128xi32, #tpu.memory_space<vmem>> -> memref<1x128xi32, #tpu.memory_space<vmem>>
        %dma_start3A_446 = tpu.memref_squeeze %dma_start3A_445 : memref<1x128xi32, #tpu.memory_space<vmem>> -> memref<128xi32, #tpu.memory_space<vmem>>
        %dma_start3A_447 = arith.constant 0 : i32
        %dma_start3A_448 = arith.constant 0 : i32
        %dma_start3A_449 = tpu.memref_slice %arg7[%dma_start3A_447, %dma_start3A_448] : memref<10240x64xf32, #tpu.memory_space<vmem_shared>> -> memref<10240x64xf32, #tpu.memory_space<vmem_shared>>
        %dma_start3A_450 = tpu.memref_slice %arg9[%dma_start3A_439] : memref<8x!tpu.dma_semaphore, #tpu.memory_space<semaphore_mem>> -> memref<1x!tpu.dma_semaphore, #tpu.memory_space<semaphore_mem>>
        %dma_start3A_451 = tpu.memref_squeeze %dma_start3A_450 : memref<1x!tpu.dma_semaphore, #tpu.memory_space<semaphore_mem>> -> memref<!tpu.dma_semaphore, #tpu.memory_space<semaphore_mem>>
        tpu.enqueue_indirect_dma source(%dma_start3A_443 : memref<128x64xf32, #tpu.memory_space<vmem>>) target(%dma_start3A_449 : memref<10240x64xf32, #tpu.memory_space<vmem_shared>>) offsets(%dma_start3A_446 : memref<128xi32, #tpu.memory_space<vmem>>) semaphore(%dma_start3A_451 : memref<!tpu.dma_semaphore, #tpu.memory_space<semaphore_mem>>) {add = true}
      } else {
      }
      %ge3A_348 = arith.constant 8 : i32
      %ge3A_349 = arith.cmpi sge, %add3A_343, %ge3A_348 : i32
      %lt3A_350 = arith.cmpi slt, %add3A_343, %add3A_4 : i32
      %and3A_351 = arith.andi %ge3A_349, %lt3A_350 : i1
      %convert_element_type3A_352 = arith.extui %and3A_351 : i1 to i32
      %cond3A_353 = arith.constant 0 : i32
      %cond3A_354 = arith.cmpi ne, %convert_element_type3A_352, %cond3A_353 : i32
      scf.if %cond3A_354 {
        %dma_wait3A_422 = arith.constant 2 : i32
        %dma_wait3A_423 = arith.constant 0 : i32
        %dma_wait3A_424 = arith.constant 2 : i32
        %dma_wait3A_425 = arith.constant 0 : i32
        %dma_wait3A_426 = arith.constant 0 : i32
        %dma_wait3A_427 = tpu.memref_slice %arg6[%dma_wait3A_422, %dma_wait3A_425, %dma_wait3A_426] : memref<8x128x64xf32, #tpu.memory_space<vmem>> -> memref<1x128x64xf32, #tpu.memory_space<vmem>>
        %dma_wait3A_428 = tpu.memref_squeeze %dma_wait3A_427 : memref<1x128x64xf32, #tpu.memory_space<vmem>> -> memref<128x64xf32, #tpu.memory_space<vmem>>
        %dma_wait3A_429 = arith.constant 0 : i32
        %dma_wait3A_430 = tpu.memref_slice %arg5[%dma_wait3A_423, %dma_wait3A_429] : memref<158x128xi32, #tpu.memory_space<vmem>> -> memref<1x128xi32, #tpu.memory_space<vmem>>
        %dma_wait3A_431 = tpu.memref_squeeze %dma_wait3A_430 : memref<1x128xi32, #tpu.memory_space<vmem>> -> memref<128xi32, #tpu.memory_space<vmem>>
        %dma_wait3A_432 = arith.constant 0 : i32
        %dma_wait3A_433 = arith.constant 0 : i32
        %dma_wait3A_434 = tpu.memref_slice %arg7[%dma_wait3A_432, %dma_wait3A_433] : memref<10240x64xf32, #tpu.memory_space<vmem_shared>> -> memref<10240x64xf32, #tpu.memory_space<vmem_shared>>
        %dma_wait3A_435 = tpu.memref_slice %arg9[%dma_wait3A_424] : memref<8x!tpu.dma_semaphore, #tpu.memory_space<semaphore_mem>> -> memref<1x!tpu.dma_semaphore, #tpu.memory_space<semaphore_mem>>
        %dma_wait3A_436 = tpu.memref_squeeze %dma_wait3A_435 : memref<1x!tpu.dma_semaphore, #tpu.memory_space<semaphore_mem>> -> memref<!tpu.dma_semaphore, #tpu.memory_space<semaphore_mem>>
        tpu.wait_indirect_dma semaphore(%dma_wait3A_436 : memref<!tpu.dma_semaphore, #tpu.memory_space<semaphore_mem>>) src(%dma_wait3A_428 : memref<128x64xf32, #tpu.memory_space<vmem>>) dst(%dma_wait3A_434 : memref<10240x64xf32, #tpu.memory_space<vmem_shared>>)
      } else {
      }
      %lt3A_355 = arith.cmpi slt, %add3A_343, %add3A_4 : i32
      %convert_element_type3A_356 = arith.extui %lt3A_355 : i1 to i32
      %cond3A_357 = arith.constant 0 : i32
      %cond3A_358 = arith.cmpi ne, %convert_element_type3A_356, %cond3A_357 : i32
      scf.if %cond3A_358 {
        %add3A_422 = arith.constant 79 : i32
        %add3A_423 = arith.addi %add3A_422, %add3A_343 : i32
        %dma_start3A_424 = arith.constant 2 : i32
        %dma_start3A_425 = arith.constant 2 : i32
        %dma_start3A_426 = arith.constant 0 : i32
        %dma_start3A_427 = arith.constant 0 : i32
        %dma_start3A_428 = tpu.memref_slice %arg6[%dma_start3A_424, %dma_start3A_426, %dma_start3A_427] : memref<8x128x64xf32, #tpu.memory_space<vmem>> -> memref<1x128x64xf32, #tpu.memory_space<vmem>>
        %dma_start3A_429 = tpu.memref_squeeze %dma_start3A_428 : memref<1x128x64xf32, #tpu.memory_space<vmem>> -> memref<128x64xf32, #tpu.memory_space<vmem>>
        %dma_start3A_430 = arith.constant 0 : i32
        %dma_start3A_431 = tpu.memref_slice %arg5[%add3A_423, %dma_start3A_430] : memref<158x128xi32, #tpu.memory_space<vmem>> -> memref<1x128xi32, #tpu.memory_space<vmem>>
        %dma_start3A_432 = tpu.memref_squeeze %dma_start3A_431 : memref<1x128xi32, #tpu.memory_space<vmem>> -> memref<128xi32, #tpu.memory_space<vmem>>
        %dma_start3A_433 = arith.constant 0 : i32
        %dma_start3A_434 = arith.constant 0 : i32
        %dma_start3A_435 = tpu.memref_slice %arg2[%dma_start3A_433, %dma_start3A_434] : memref<20000x64xf32, #tpu.memory_space<hbm>> -> memref<20000x64xf32, #tpu.memory_space<hbm>>
        %dma_start3A_436 = tpu.memref_slice %arg8[%dma_start3A_425] : memref<8x!tpu.dma_semaphore, #tpu.memory_space<semaphore_mem>> -> memref<1x!tpu.dma_semaphore, #tpu.memory_space<semaphore_mem>>
        %dma_start3A_437 = tpu.memref_squeeze %dma_start3A_436 : memref<1x!tpu.dma_semaphore, #tpu.memory_space<semaphore_mem>> -> memref<!tpu.dma_semaphore, #tpu.memory_space<semaphore_mem>>
        tpu.enqueue_indirect_dma source(%dma_start3A_435 : memref<20000x64xf32, #tpu.memory_space<hbm>>) target(%dma_start3A_429 : memref<128x64xf32, #tpu.memory_space<vmem>>) offsets(%dma_start3A_432 : memref<128xi32, #tpu.memory_space<vmem>>) semaphore(%dma_start3A_437 : memref<!tpu.dma_semaphore, #tpu.memory_space<semaphore_mem>>)
      } else {
      }
      %mul3A_359 = arith.constant 8 : i32
      %mul3A_360 = arith.muli %scan3A_257, %mul3A_359 : i32
      %add3A_361 = arith.constant 5 : i32
      %add3A_362 = arith.addi %mul3A_360, %add3A_361 : i32
      %add3A_363 = arith.constant 6 : i32
      %add3A_364 = arith.addi %add3A_362, %add3A_363 : i32
      %lt3A_365 = arith.cmpi slt, %add3A_362, %add3A_4 : i32
      %convert_element_type3A_366 = arith.extui %lt3A_365 : i1 to i32
      %cond3A_367 = arith.constant 0 : i32
      %cond3A_368 = arith.cmpi ne, %convert_element_type3A_366, %cond3A_367 : i32
      scf.if %cond3A_368 {
        %add3A_422 = arith.constant 79 : i32
        %add3A_423 = arith.addi %add3A_422, %add3A_362 : i32
        %dma_wait3A_424 = arith.constant 5 : i32
        %dma_wait3A_425 = arith.constant 5 : i32
        %dma_wait3A_426 = arith.constant 0 : i32
        %dma_wait3A_427 = arith.constant 0 : i32
        %dma_wait3A_428 = tpu.memref_slice %arg6[%dma_wait3A_424, %dma_wait3A_426, %dma_wait3A_427] : memref<8x128x64xf32, #tpu.memory_space<vmem>> -> memref<1x128x64xf32, #tpu.memory_space<vmem>>
        %dma_wait3A_429 = tpu.memref_squeeze %dma_wait3A_428 : memref<1x128x64xf32, #tpu.memory_space<vmem>> -> memref<128x64xf32, #tpu.memory_space<vmem>>
        %dma_wait3A_430 = arith.constant 0 : i32
        %dma_wait3A_431 = tpu.memref_slice %arg5[%add3A_423, %dma_wait3A_430] : memref<158x128xi32, #tpu.memory_space<vmem>> -> memref<1x128xi32, #tpu.memory_space<vmem>>
        %dma_wait3A_432 = tpu.memref_squeeze %dma_wait3A_431 : memref<1x128xi32, #tpu.memory_space<vmem>> -> memref<128xi32, #tpu.memory_space<vmem>>
        %dma_wait3A_433 = arith.constant 0 : i32
        %dma_wait3A_434 = arith.constant 0 : i32
        %dma_wait3A_435 = tpu.memref_slice %arg2[%dma_wait3A_433, %dma_wait3A_434] : memref<20000x64xf32, #tpu.memory_space<hbm>> -> memref<20000x64xf32, #tpu.memory_space<hbm>>
        %dma_wait3A_436 = tpu.memref_slice %arg8[%dma_wait3A_425] : memref<8x!tpu.dma_semaphore, #tpu.memory_space<semaphore_mem>> -> memref<1x!tpu.dma_semaphore, #tpu.memory_space<semaphore_mem>>
        %dma_wait3A_437 = tpu.memref_squeeze %dma_wait3A_436 : memref<1x!tpu.dma_semaphore, #tpu.memory_space<semaphore_mem>> -> memref<!tpu.dma_semaphore, #tpu.memory_space<semaphore_mem>>
        tpu.wait_indirect_dma semaphore(%dma_wait3A_437 : memref<!tpu.dma_semaphore, #tpu.memory_space<semaphore_mem>>) src(%dma_wait3A_435 : memref<20000x64xf32, #tpu.memory_space<hbm>>) dst(%dma_wait3A_429 : memref<128x64xf32, #tpu.memory_space<vmem>>)
        %dma_start3A_438 = arith.constant 5 : i32
        %dma_start3A_439 = arith.constant 5 : i32
        %dma_start3A_440 = arith.constant 0 : i32
        %dma_start3A_441 = arith.constant 0 : i32
        %dma_start3A_442 = tpu.memref_slice %arg6[%dma_start3A_438, %dma_start3A_440, %dma_start3A_441] : memref<8x128x64xf32, #tpu.memory_space<vmem>> -> memref<1x128x64xf32, #tpu.memory_space<vmem>>
        %dma_start3A_443 = tpu.memref_squeeze %dma_start3A_442 : memref<1x128x64xf32, #tpu.memory_space<vmem>> -> memref<128x64xf32, #tpu.memory_space<vmem>>
        %dma_start3A_444 = arith.constant 0 : i32
        %dma_start3A_445 = tpu.memref_slice %arg5[%add3A_362, %dma_start3A_444] : memref<158x128xi32, #tpu.memory_space<vmem>> -> memref<1x128xi32, #tpu.memory_space<vmem>>
        %dma_start3A_446 = tpu.memref_squeeze %dma_start3A_445 : memref<1x128xi32, #tpu.memory_space<vmem>> -> memref<128xi32, #tpu.memory_space<vmem>>
        %dma_start3A_447 = arith.constant 0 : i32
        %dma_start3A_448 = arith.constant 0 : i32
        %dma_start3A_449 = tpu.memref_slice %arg7[%dma_start3A_447, %dma_start3A_448] : memref<10240x64xf32, #tpu.memory_space<vmem_shared>> -> memref<10240x64xf32, #tpu.memory_space<vmem_shared>>
        %dma_start3A_450 = tpu.memref_slice %arg9[%dma_start3A_439] : memref<8x!tpu.dma_semaphore, #tpu.memory_space<semaphore_mem>> -> memref<1x!tpu.dma_semaphore, #tpu.memory_space<semaphore_mem>>
        %dma_start3A_451 = tpu.memref_squeeze %dma_start3A_450 : memref<1x!tpu.dma_semaphore, #tpu.memory_space<semaphore_mem>> -> memref<!tpu.dma_semaphore, #tpu.memory_space<semaphore_mem>>
        tpu.enqueue_indirect_dma source(%dma_start3A_443 : memref<128x64xf32, #tpu.memory_space<vmem>>) target(%dma_start3A_449 : memref<10240x64xf32, #tpu.memory_space<vmem_shared>>) offsets(%dma_start3A_446 : memref<128xi32, #tpu.memory_space<vmem>>) semaphore(%dma_start3A_451 : memref<!tpu.dma_semaphore, #tpu.memory_space<semaphore_mem>>) {add = true}
      } else {
      }
      %ge3A_369 = arith.constant 8 : i32
      %ge3A_370 = arith.cmpi sge, %add3A_364, %ge3A_369 : i32
      %lt3A_371 = arith.cmpi slt, %add3A_364, %add3A_4 : i32
      %and3A_372 = arith.andi %ge3A_370, %lt3A_371 : i1
      %convert_element_type3A_373 = arith.extui %and3A_372 : i1 to i32
      %cond3A_374 = arith.constant 0 : i32
      %cond3A_375 = arith.cmpi ne, %convert_element_type3A_373, %cond3A_374 : i32
      scf.if %cond3A_375 {
        %dma_wait3A_422 = arith.constant 3 : i32
        %dma_wait3A_423 = arith.constant 0 : i32
        %dma_wait3A_424 = arith.constant 3 : i32
        %dma_wait3A_425 = arith.constant 0 : i32
        %dma_wait3A_426 = arith.constant 0 : i32
        %dma_wait3A_427 = tpu.memref_slice %arg6[%dma_wait3A_422, %dma_wait3A_425, %dma_wait3A_426] : memref<8x128x64xf32, #tpu.memory_space<vmem>> -> memref<1x128x64xf32, #tpu.memory_space<vmem>>
        %dma_wait3A_428 = tpu.memref_squeeze %dma_wait3A_427 : memref<1x128x64xf32, #tpu.memory_space<vmem>> -> memref<128x64xf32, #tpu.memory_space<vmem>>
        %dma_wait3A_429 = arith.constant 0 : i32
        %dma_wait3A_430 = tpu.memref_slice %arg5[%dma_wait3A_423, %dma_wait3A_429] : memref<158x128xi32, #tpu.memory_space<vmem>> -> memref<1x128xi32, #tpu.memory_space<vmem>>
        %dma_wait3A_431 = tpu.memref_squeeze %dma_wait3A_430 : memref<1x128xi32, #tpu.memory_space<vmem>> -> memref<128xi32, #tpu.memory_space<vmem>>
        %dma_wait3A_432 = arith.constant 0 : i32
        %dma_wait3A_433 = arith.constant 0 : i32
        %dma_wait3A_434 = tpu.memref_slice %arg7[%dma_wait3A_432, %dma_wait3A_433] : memref<10240x64xf32, #tpu.memory_space<vmem_shared>> -> memref<10240x64xf32, #tpu.memory_space<vmem_shared>>
        %dma_wait3A_435 = tpu.memref_slice %arg9[%dma_wait3A_424] : memref<8x!tpu.dma_semaphore, #tpu.memory_space<semaphore_mem>> -> memref<1x!tpu.dma_semaphore, #tpu.memory_space<semaphore_mem>>
        %dma_wait3A_436 = tpu.memref_squeeze %dma_wait3A_435 : memref<1x!tpu.dma_semaphore, #tpu.memory_space<semaphore_mem>> -> memref<!tpu.dma_semaphore, #tpu.memory_space<semaphore_mem>>
        tpu.wait_indirect_dma semaphore(%dma_wait3A_436 : memref<!tpu.dma_semaphore, #tpu.memory_space<semaphore_mem>>) src(%dma_wait3A_428 : memref<128x64xf32, #tpu.memory_space<vmem>>) dst(%dma_wait3A_434 : memref<10240x64xf32, #tpu.memory_space<vmem_shared>>)
      } else {
      }
      %lt3A_376 = arith.cmpi slt, %add3A_364, %add3A_4 : i32
      %convert_element_type3A_377 = arith.extui %lt3A_376 : i1 to i32
      %cond3A_378 = arith.constant 0 : i32
      %cond3A_379 = arith.cmpi ne, %convert_element_type3A_377, %cond3A_378 : i32
      scf.if %cond3A_379 {
        %add3A_422 = arith.constant 79 : i32
        %add3A_423 = arith.addi %add3A_422, %add3A_364 : i32
        %dma_start3A_424 = arith.constant 3 : i32
        %dma_start3A_425 = arith.constant 3 : i32
        %dma_start3A_426 = arith.constant 0 : i32
        %dma_start3A_427 = arith.constant 0 : i32
        %dma_start3A_428 = tpu.memref_slice %arg6[%dma_start3A_424, %dma_start3A_426, %dma_start3A_427] : memref<8x128x64xf32, #tpu.memory_space<vmem>> -> memref<1x128x64xf32, #tpu.memory_space<vmem>>
        %dma_start3A_429 = tpu.memref_squeeze %dma_start3A_428 : memref<1x128x64xf32, #tpu.memory_space<vmem>> -> memref<128x64xf32, #tpu.memory_space<vmem>>
        %dma_start3A_430 = arith.constant 0 : i32
        %dma_start3A_431 = tpu.memref_slice %arg5[%add3A_423, %dma_start3A_430] : memref<158x128xi32, #tpu.memory_space<vmem>> -> memref<1x128xi32, #tpu.memory_space<vmem>>
        %dma_start3A_432 = tpu.memref_squeeze %dma_start3A_431 : memref<1x128xi32, #tpu.memory_space<vmem>> -> memref<128xi32, #tpu.memory_space<vmem>>
        %dma_start3A_433 = arith.constant 0 : i32
        %dma_start3A_434 = arith.constant 0 : i32
        %dma_start3A_435 = tpu.memref_slice %arg2[%dma_start3A_433, %dma_start3A_434] : memref<20000x64xf32, #tpu.memory_space<hbm>> -> memref<20000x64xf32, #tpu.memory_space<hbm>>
        %dma_start3A_436 = tpu.memref_slice %arg8[%dma_start3A_425] : memref<8x!tpu.dma_semaphore, #tpu.memory_space<semaphore_mem>> -> memref<1x!tpu.dma_semaphore, #tpu.memory_space<semaphore_mem>>
        %dma_start3A_437 = tpu.memref_squeeze %dma_start3A_436 : memref<1x!tpu.dma_semaphore, #tpu.memory_space<semaphore_mem>> -> memref<!tpu.dma_semaphore, #tpu.memory_space<semaphore_mem>>
        tpu.enqueue_indirect_dma source(%dma_start3A_435 : memref<20000x64xf32, #tpu.memory_space<hbm>>) target(%dma_start3A_429 : memref<128x64xf32, #tpu.memory_space<vmem>>) offsets(%dma_start3A_432 : memref<128xi32, #tpu.memory_space<vmem>>) semaphore(%dma_start3A_437 : memref<!tpu.dma_semaphore, #tpu.memory_space<semaphore_mem>>)
      } else {
      }
      %mul3A_380 = arith.constant 8 : i32
      %mul3A_381 = arith.muli %scan3A_257, %mul3A_380 : i32
      %add3A_382 = arith.constant 6 : i32
      %add3A_383 = arith.addi %mul3A_381, %add3A_382 : i32
      %add3A_384 = arith.constant 6 : i32
      %add3A_385 = arith.addi %add3A_383, %add3A_384 : i32
      %lt3A_386 = arith.cmpi slt, %add3A_383, %add3A_4 : i32
      %convert_element_type3A_387 = arith.extui %lt3A_386 : i1 to i32
      %cond3A_388 = arith.constant 0 : i32
      %cond3A_389 = arith.cmpi ne, %convert_element_type3A_387, %cond3A_388 : i32
      scf.if %cond3A_389 {
        %add3A_422 = arith.constant 79 : i32
        %add3A_423 = arith.addi %add3A_422, %add3A_383 : i32
        %dma_wait3A_424 = arith.constant 6 : i32
        %dma_wait3A_425 = arith.constant 6 : i32
        %dma_wait3A_426 = arith.constant 0 : i32
        %dma_wait3A_427 = arith.constant 0 : i32
        %dma_wait3A_428 = tpu.memref_slice %arg6[%dma_wait3A_424, %dma_wait3A_426, %dma_wait3A_427] : memref<8x128x64xf32, #tpu.memory_space<vmem>> -> memref<1x128x64xf32, #tpu.memory_space<vmem>>
        %dma_wait3A_429 = tpu.memref_squeeze %dma_wait3A_428 : memref<1x128x64xf32, #tpu.memory_space<vmem>> -> memref<128x64xf32, #tpu.memory_space<vmem>>
        %dma_wait3A_430 = arith.constant 0 : i32
        %dma_wait3A_431 = tpu.memref_slice %arg5[%add3A_423, %dma_wait3A_430] : memref<158x128xi32, #tpu.memory_space<vmem>> -> memref<1x128xi32, #tpu.memory_space<vmem>>
        %dma_wait3A_432 = tpu.memref_squeeze %dma_wait3A_431 : memref<1x128xi32, #tpu.memory_space<vmem>> -> memref<128xi32, #tpu.memory_space<vmem>>
        %dma_wait3A_433 = arith.constant 0 : i32
        %dma_wait3A_434 = arith.constant 0 : i32
        %dma_wait3A_435 = tpu.memref_slice %arg2[%dma_wait3A_433, %dma_wait3A_434] : memref<20000x64xf32, #tpu.memory_space<hbm>> -> memref<20000x64xf32, #tpu.memory_space<hbm>>
        %dma_wait3A_436 = tpu.memref_slice %arg8[%dma_wait3A_425] : memref<8x!tpu.dma_semaphore, #tpu.memory_space<semaphore_mem>> -> memref<1x!tpu.dma_semaphore, #tpu.memory_space<semaphore_mem>>
        %dma_wait3A_437 = tpu.memref_squeeze %dma_wait3A_436 : memref<1x!tpu.dma_semaphore, #tpu.memory_space<semaphore_mem>> -> memref<!tpu.dma_semaphore, #tpu.memory_space<semaphore_mem>>
        tpu.wait_indirect_dma semaphore(%dma_wait3A_437 : memref<!tpu.dma_semaphore, #tpu.memory_space<semaphore_mem>>) src(%dma_wait3A_435 : memref<20000x64xf32, #tpu.memory_space<hbm>>) dst(%dma_wait3A_429 : memref<128x64xf32, #tpu.memory_space<vmem>>)
        %dma_start3A_438 = arith.constant 6 : i32
        %dma_start3A_439 = arith.constant 6 : i32
        %dma_start3A_440 = arith.constant 0 : i32
        %dma_start3A_441 = arith.constant 0 : i32
        %dma_start3A_442 = tpu.memref_slice %arg6[%dma_start3A_438, %dma_start3A_440, %dma_start3A_441] : memref<8x128x64xf32, #tpu.memory_space<vmem>> -> memref<1x128x64xf32, #tpu.memory_space<vmem>>
        %dma_start3A_443 = tpu.memref_squeeze %dma_start3A_442 : memref<1x128x64xf32, #tpu.memory_space<vmem>> -> memref<128x64xf32, #tpu.memory_space<vmem>>
        %dma_start3A_444 = arith.constant 0 : i32
        %dma_start3A_445 = tpu.memref_slice %arg5[%add3A_383, %dma_start3A_444] : memref<158x128xi32, #tpu.memory_space<vmem>> -> memref<1x128xi32, #tpu.memory_space<vmem>>
        %dma_start3A_446 = tpu.memref_squeeze %dma_start3A_445 : memref<1x128xi32, #tpu.memory_space<vmem>> -> memref<128xi32, #tpu.memory_space<vmem>>
        %dma_start3A_447 = arith.constant 0 : i32
        %dma_start3A_448 = arith.constant 0 : i32
        %dma_start3A_449 = tpu.memref_slice %arg7[%dma_start3A_447, %dma_start3A_448] : memref<10240x64xf32, #tpu.memory_space<vmem_shared>> -> memref<10240x64xf32, #tpu.memory_space<vmem_shared>>
        %dma_start3A_450 = tpu.memref_slice %arg9[%dma_start3A_439] : memref<8x!tpu.dma_semaphore, #tpu.memory_space<semaphore_mem>> -> memref<1x!tpu.dma_semaphore, #tpu.memory_space<semaphore_mem>>
        %dma_start3A_451 = tpu.memref_squeeze %dma_start3A_450 : memref<1x!tpu.dma_semaphore, #tpu.memory_space<semaphore_mem>> -> memref<!tpu.dma_semaphore, #tpu.memory_space<semaphore_mem>>
        tpu.enqueue_indirect_dma source(%dma_start3A_443 : memref<128x64xf32, #tpu.memory_space<vmem>>) target(%dma_start3A_449 : memref<10240x64xf32, #tpu.memory_space<vmem_shared>>) offsets(%dma_start3A_446 : memref<128xi32, #tpu.memory_space<vmem>>) semaphore(%dma_start3A_451 : memref<!tpu.dma_semaphore, #tpu.memory_space<semaphore_mem>>) {add = true}
      } else {
      }
      %ge3A_390 = arith.constant 8 : i32
      %ge3A_391 = arith.cmpi sge, %add3A_385, %ge3A_390 : i32
      %lt3A_392 = arith.cmpi slt, %add3A_385, %add3A_4 : i32
      %and3A_393 = arith.andi %ge3A_391, %lt3A_392 : i1
      %convert_element_type3A_394 = arith.extui %and3A_393 : i1 to i32
      %cond3A_395 = arith.constant 0 : i32
      %cond3A_396 = arith.cmpi ne, %convert_element_type3A_394, %cond3A_395 : i32
      scf.if %cond3A_396 {
        %dma_wait3A_422 = arith.constant 4 : i32
        %dma_wait3A_423 = arith.constant 0 : i32
        %dma_wait3A_424 = arith.constant 4 : i32
        %dma_wait3A_425 = arith.constant 0 : i32
        %dma_wait3A_426 = arith.constant 0 : i32
        %dma_wait3A_427 = tpu.memref_slice %arg6[%dma_wait3A_422, %dma_wait3A_425, %dma_wait3A_426] : memref<8x128x64xf32, #tpu.memory_space<vmem>> -> memref<1x128x64xf32, #tpu.memory_space<vmem>>
        %dma_wait3A_428 = tpu.memref_squeeze %dma_wait3A_427 : memref<1x128x64xf32, #tpu.memory_space<vmem>> -> memref<128x64xf32, #tpu.memory_space<vmem>>
        %dma_wait3A_429 = arith.constant 0 : i32
        %dma_wait3A_430 = tpu.memref_slice %arg5[%dma_wait3A_423, %dma_wait3A_429] : memref<158x128xi32, #tpu.memory_space<vmem>> -> memref<1x128xi32, #tpu.memory_space<vmem>>
        %dma_wait3A_431 = tpu.memref_squeeze %dma_wait3A_430 : memref<1x128xi32, #tpu.memory_space<vmem>> -> memref<128xi32, #tpu.memory_space<vmem>>
        %dma_wait3A_432 = arith.constant 0 : i32
        %dma_wait3A_433 = arith.constant 0 : i32
        %dma_wait3A_434 = tpu.memref_slice %arg7[%dma_wait3A_432, %dma_wait3A_433] : memref<10240x64xf32, #tpu.memory_space<vmem_shared>> -> memref<10240x64xf32, #tpu.memory_space<vmem_shared>>
        %dma_wait3A_435 = tpu.memref_slice %arg9[%dma_wait3A_424] : memref<8x!tpu.dma_semaphore, #tpu.memory_space<semaphore_mem>> -> memref<1x!tpu.dma_semaphore, #tpu.memory_space<semaphore_mem>>
        %dma_wait3A_436 = tpu.memref_squeeze %dma_wait3A_435 : memref<1x!tpu.dma_semaphore, #tpu.memory_space<semaphore_mem>> -> memref<!tpu.dma_semaphore, #tpu.memory_space<semaphore_mem>>
        tpu.wait_indirect_dma semaphore(%dma_wait3A_436 : memref<!tpu.dma_semaphore, #tpu.memory_space<semaphore_mem>>) src(%dma_wait3A_428 : memref<128x64xf32, #tpu.memory_space<vmem>>) dst(%dma_wait3A_434 : memref<10240x64xf32, #tpu.memory_space<vmem_shared>>)
      } else {
      }
      %lt3A_397 = arith.cmpi slt, %add3A_385, %add3A_4 : i32
      %convert_element_type3A_398 = arith.extui %lt3A_397 : i1 to i32
      %cond3A_399 = arith.constant 0 : i32
      %cond3A_400 = arith.cmpi ne, %convert_element_type3A_398, %cond3A_399 : i32
      scf.if %cond3A_400 {
        %add3A_422 = arith.constant 79 : i32
        %add3A_423 = arith.addi %add3A_422, %add3A_385 : i32
        %dma_start3A_424 = arith.constant 4 : i32
        %dma_start3A_425 = arith.constant 4 : i32
        %dma_start3A_426 = arith.constant 0 : i32
        %dma_start3A_427 = arith.constant 0 : i32
        %dma_start3A_428 = tpu.memref_slice %arg6[%dma_start3A_424, %dma_start3A_426, %dma_start3A_427] : memref<8x128x64xf32, #tpu.memory_space<vmem>> -> memref<1x128x64xf32, #tpu.memory_space<vmem>>
        %dma_start3A_429 = tpu.memref_squeeze %dma_start3A_428 : memref<1x128x64xf32, #tpu.memory_space<vmem>> -> memref<128x64xf32, #tpu.memory_space<vmem>>
        %dma_start3A_430 = arith.constant 0 : i32
        %dma_start3A_431 = tpu.memref_slice %arg5[%add3A_423, %dma_start3A_430] : memref<158x128xi32, #tpu.memory_space<vmem>> -> memref<1x128xi32, #tpu.memory_space<vmem>>
        %dma_start3A_432 = tpu.memref_squeeze %dma_start3A_431 : memref<1x128xi32, #tpu.memory_space<vmem>> -> memref<128xi32, #tpu.memory_space<vmem>>
        %dma_start3A_433 = arith.constant 0 : i32
        %dma_start3A_434 = arith.constant 0 : i32
        %dma_start3A_435 = tpu.memref_slice %arg2[%dma_start3A_433, %dma_start3A_434] : memref<20000x64xf32, #tpu.memory_space<hbm>> -> memref<20000x64xf32, #tpu.memory_space<hbm>>
        %dma_start3A_436 = tpu.memref_slice %arg8[%dma_start3A_425] : memref<8x!tpu.dma_semaphore, #tpu.memory_space<semaphore_mem>> -> memref<1x!tpu.dma_semaphore, #tpu.memory_space<semaphore_mem>>
        %dma_start3A_437 = tpu.memref_squeeze %dma_start3A_436 : memref<1x!tpu.dma_semaphore, #tpu.memory_space<semaphore_mem>> -> memref<!tpu.dma_semaphore, #tpu.memory_space<semaphore_mem>>
        tpu.enqueue_indirect_dma source(%dma_start3A_435 : memref<20000x64xf32, #tpu.memory_space<hbm>>) target(%dma_start3A_429 : memref<128x64xf32, #tpu.memory_space<vmem>>) offsets(%dma_start3A_432 : memref<128xi32, #tpu.memory_space<vmem>>) semaphore(%dma_start3A_437 : memref<!tpu.dma_semaphore, #tpu.memory_space<semaphore_mem>>)
      } else {
      }
      %mul3A_401 = arith.constant 8 : i32
      %mul3A_402 = arith.muli %scan3A_257, %mul3A_401 : i32
      %add3A_403 = arith.constant 7 : i32
      %add3A_404 = arith.addi %mul3A_402, %add3A_403 : i32
      %add3A_405 = arith.constant 6 : i32
      %add3A_406 = arith.addi %add3A_404, %add3A_405 : i32
      %lt3A_407 = arith.cmpi slt, %add3A_404, %add3A_4 : i32
      %convert_element_type3A_408 = arith.extui %lt3A_407 : i1 to i32
      %cond3A_409 = arith.constant 0 : i32
      %cond3A_410 = arith.cmpi ne, %convert_element_type3A_408, %cond3A_409 : i32
      scf.if %cond3A_410 {
        %add3A_422 = arith.constant 79 : i32
        %add3A_423 = arith.addi %add3A_422, %add3A_404 : i32
        %dma_wait3A_424 = arith.constant 7 : i32
        %dma_wait3A_425 = arith.constant 7 : i32
        %dma_wait3A_426 = arith.constant 0 : i32
        %dma_wait3A_427 = arith.constant 0 : i32
        %dma_wait3A_428 = tpu.memref_slice %arg6[%dma_wait3A_424, %dma_wait3A_426, %dma_wait3A_427] : memref<8x128x64xf32, #tpu.memory_space<vmem>> -> memref<1x128x64xf32, #tpu.memory_space<vmem>>
        %dma_wait3A_429 = tpu.memref_squeeze %dma_wait3A_428 : memref<1x128x64xf32, #tpu.memory_space<vmem>> -> memref<128x64xf32, #tpu.memory_space<vmem>>
        %dma_wait3A_430 = arith.constant 0 : i32
        %dma_wait3A_431 = tpu.memref_slice %arg5[%add3A_423, %dma_wait3A_430] : memref<158x128xi32, #tpu.memory_space<vmem>> -> memref<1x128xi32, #tpu.memory_space<vmem>>
        %dma_wait3A_432 = tpu.memref_squeeze %dma_wait3A_431 : memref<1x128xi32, #tpu.memory_space<vmem>> -> memref<128xi32, #tpu.memory_space<vmem>>
        %dma_wait3A_433 = arith.constant 0 : i32
        %dma_wait3A_434 = arith.constant 0 : i32
        %dma_wait3A_435 = tpu.memref_slice %arg2[%dma_wait3A_433, %dma_wait3A_434] : memref<20000x64xf32, #tpu.memory_space<hbm>> -> memref<20000x64xf32, #tpu.memory_space<hbm>>
        %dma_wait3A_436 = tpu.memref_slice %arg8[%dma_wait3A_425] : memref<8x!tpu.dma_semaphore, #tpu.memory_space<semaphore_mem>> -> memref<1x!tpu.dma_semaphore, #tpu.memory_space<semaphore_mem>>
        %dma_wait3A_437 = tpu.memref_squeeze %dma_wait3A_436 : memref<1x!tpu.dma_semaphore, #tpu.memory_space<semaphore_mem>> -> memref<!tpu.dma_semaphore, #tpu.memory_space<semaphore_mem>>
        tpu.wait_indirect_dma semaphore(%dma_wait3A_437 : memref<!tpu.dma_semaphore, #tpu.memory_space<semaphore_mem>>) src(%dma_wait3A_435 : memref<20000x64xf32, #tpu.memory_space<hbm>>) dst(%dma_wait3A_429 : memref<128x64xf32, #tpu.memory_space<vmem>>)
        %dma_start3A_438 = arith.constant 7 : i32
        %dma_start3A_439 = arith.constant 7 : i32
        %dma_start3A_440 = arith.constant 0 : i32
        %dma_start3A_441 = arith.constant 0 : i32
        %dma_start3A_442 = tpu.memref_slice %arg6[%dma_start3A_438, %dma_start3A_440, %dma_start3A_441] : memref<8x128x64xf32, #tpu.memory_space<vmem>> -> memref<1x128x64xf32, #tpu.memory_space<vmem>>
        %dma_start3A_443 = tpu.memref_squeeze %dma_start3A_442 : memref<1x128x64xf32, #tpu.memory_space<vmem>> -> memref<128x64xf32, #tpu.memory_space<vmem>>
        %dma_start3A_444 = arith.constant 0 : i32
        %dma_start3A_445 = tpu.memref_slice %arg5[%add3A_404, %dma_start3A_444] : memref<158x128xi32, #tpu.memory_space<vmem>> -> memref<1x128xi32, #tpu.memory_space<vmem>>
        %dma_start3A_446 = tpu.memref_squeeze %dma_start3A_445 : memref<1x128xi32, #tpu.memory_space<vmem>> -> memref<128xi32, #tpu.memory_space<vmem>>
        %dma_start3A_447 = arith.constant 0 : i32
        %dma_start3A_448 = arith.constant 0 : i32
        %dma_start3A_449 = tpu.memref_slice %arg7[%dma_start3A_447, %dma_start3A_448] : memref<10240x64xf32, #tpu.memory_space<vmem_shared>> -> memref<10240x64xf32, #tpu.memory_space<vmem_shared>>
        %dma_start3A_450 = tpu.memref_slice %arg9[%dma_start3A_439] : memref<8x!tpu.dma_semaphore, #tpu.memory_space<semaphore_mem>> -> memref<1x!tpu.dma_semaphore, #tpu.memory_space<semaphore_mem>>
        %dma_start3A_451 = tpu.memref_squeeze %dma_start3A_450 : memref<1x!tpu.dma_semaphore, #tpu.memory_space<semaphore_mem>> -> memref<!tpu.dma_semaphore, #tpu.memory_space<semaphore_mem>>
        tpu.enqueue_indirect_dma source(%dma_start3A_443 : memref<128x64xf32, #tpu.memory_space<vmem>>) target(%dma_start3A_449 : memref<10240x64xf32, #tpu.memory_space<vmem_shared>>) offsets(%dma_start3A_446 : memref<128xi32, #tpu.memory_space<vmem>>) semaphore(%dma_start3A_451 : memref<!tpu.dma_semaphore, #tpu.memory_space<semaphore_mem>>) {add = true}
      } else {
      }
      %ge3A_411 = arith.constant 8 : i32
      %ge3A_412 = arith.cmpi sge, %add3A_406, %ge3A_411 : i32
      %lt3A_413 = arith.cmpi slt, %add3A_406, %add3A_4 : i32
      %and3A_414 = arith.andi %ge3A_412, %lt3A_413 : i1
      %convert_element_type3A_415 = arith.extui %and3A_414 : i1 to i32
      %cond3A_416 = arith.constant 0 : i32
      %cond3A_417 = arith.cmpi ne, %convert_element_type3A_415, %cond3A_416 : i32
      scf.if %cond3A_417 {
        %dma_wait3A_422 = arith.constant 5 : i32
        %dma_wait3A_423 = arith.constant 0 : i32
        %dma_wait3A_424 = arith.constant 5 : i32
        %dma_wait3A_425 = arith.constant 0 : i32
        %dma_wait3A_426 = arith.constant 0 : i32
        %dma_wait3A_427 = tpu.memref_slice %arg6[%dma_wait3A_422, %dma_wait3A_425, %dma_wait3A_426] : memref<8x128x64xf32, #tpu.memory_space<vmem>> -> memref<1x128x64xf32, #tpu.memory_space<vmem>>
        %dma_wait3A_428 = tpu.memref_squeeze %dma_wait3A_427 : memref<1x128x64xf32, #tpu.memory_space<vmem>> -> memref<128x64xf32, #tpu.memory_space<vmem>>
        %dma_wait3A_429 = arith.constant 0 : i32
        %dma_wait3A_430 = tpu.memref_slice %arg5[%dma_wait3A_423, %dma_wait3A_429] : memref<158x128xi32, #tpu.memory_space<vmem>> -> memref<1x128xi32, #tpu.memory_space<vmem>>
        %dma_wait3A_431 = tpu.memref_squeeze %dma_wait3A_430 : memref<1x128xi32, #tpu.memory_space<vmem>> -> memref<128xi32, #tpu.memory_space<vmem>>
        %dma_wait3A_432 = arith.constant 0 : i32
        %dma_wait3A_433 = arith.constant 0 : i32
        %dma_wait3A_434 = tpu.memref_slice %arg7[%dma_wait3A_432, %dma_wait3A_433] : memref<10240x64xf32, #tpu.memory_space<vmem_shared>> -> memref<10240x64xf32, #tpu.memory_space<vmem_shared>>
        %dma_wait3A_435 = tpu.memref_slice %arg9[%dma_wait3A_424] : memref<8x!tpu.dma_semaphore, #tpu.memory_space<semaphore_mem>> -> memref<1x!tpu.dma_semaphore, #tpu.memory_space<semaphore_mem>>
        %dma_wait3A_436 = tpu.memref_squeeze %dma_wait3A_435 : memref<1x!tpu.dma_semaphore, #tpu.memory_space<semaphore_mem>> -> memref<!tpu.dma_semaphore, #tpu.memory_space<semaphore_mem>>
        tpu.wait_indirect_dma semaphore(%dma_wait3A_436 : memref<!tpu.dma_semaphore, #tpu.memory_space<semaphore_mem>>) src(%dma_wait3A_428 : memref<128x64xf32, #tpu.memory_space<vmem>>) dst(%dma_wait3A_434 : memref<10240x64xf32, #tpu.memory_space<vmem_shared>>)
      } else {
      }
      %lt3A_418 = arith.cmpi slt, %add3A_406, %add3A_4 : i32
      %convert_element_type3A_419 = arith.extui %lt3A_418 : i1 to i32
      %cond3A_420 = arith.constant 0 : i32
      %cond3A_421 = arith.cmpi ne, %convert_element_type3A_419, %cond3A_420 : i32
      scf.if %cond3A_421 {
        %add3A_422 = arith.constant 79 : i32
        %add3A_423 = arith.addi %add3A_422, %add3A_406 : i32
        %dma_start3A_424 = arith.constant 5 : i32
        %dma_start3A_425 = arith.constant 5 : i32
        %dma_start3A_426 = arith.constant 0 : i32
        %dma_start3A_427 = arith.constant 0 : i32
        %dma_start3A_428 = tpu.memref_slice %arg6[%dma_start3A_424, %dma_start3A_426, %dma_start3A_427] : memref<8x128x64xf32, #tpu.memory_space<vmem>> -> memref<1x128x64xf32, #tpu.memory_space<vmem>>
        %dma_start3A_429 = tpu.memref_squeeze %dma_start3A_428 : memref<1x128x64xf32, #tpu.memory_space<vmem>> -> memref<128x64xf32, #tpu.memory_space<vmem>>
        %dma_start3A_430 = arith.constant 0 : i32
        %dma_start3A_431 = tpu.memref_slice %arg5[%add3A_423, %dma_start3A_430] : memref<158x128xi32, #tpu.memory_space<vmem>> -> memref<1x128xi32, #tpu.memory_space<vmem>>
        %dma_start3A_432 = tpu.memref_squeeze %dma_start3A_431 : memref<1x128xi32, #tpu.memory_space<vmem>> -> memref<128xi32, #tpu.memory_space<vmem>>
        %dma_start3A_433 = arith.constant 0 : i32
        %dma_start3A_434 = arith.constant 0 : i32
        %dma_start3A_435 = tpu.memref_slice %arg2[%dma_start3A_433, %dma_start3A_434] : memref<20000x64xf32, #tpu.memory_space<hbm>> -> memref<20000x64xf32, #tpu.memory_space<hbm>>
        %dma_start3A_436 = tpu.memref_slice %arg8[%dma_start3A_425] : memref<8x!tpu.dma_semaphore, #tpu.memory_space<semaphore_mem>> -> memref<1x!tpu.dma_semaphore, #tpu.memory_space<semaphore_mem>>
        %dma_start3A_437 = tpu.memref_squeeze %dma_start3A_436 : memref<1x!tpu.dma_semaphore, #tpu.memory_space<semaphore_mem>> -> memref<!tpu.dma_semaphore, #tpu.memory_space<semaphore_mem>>
        tpu.enqueue_indirect_dma source(%dma_start3A_435 : memref<20000x64xf32, #tpu.memory_space<hbm>>) target(%dma_start3A_429 : memref<128x64xf32, #tpu.memory_space<vmem>>) offsets(%dma_start3A_432 : memref<128xi32, #tpu.memory_space<vmem>>) semaphore(%dma_start3A_437 : memref<!tpu.dma_semaphore, #tpu.memory_space<semaphore_mem>>)
      } else {
      }
    }
    %scan3A_134 = arith.constant 10 : i32
    %dma_wait3A = arith.constant 0 : i32
    %dma_wait3A_135 = arith.constant 0 : i32
    %dma_wait3A_136 = arith.constant 0 : i32
    %dma_wait3A_137 = arith.constant 0 : i32
    %dma_wait3A_138 = arith.constant 0 : i32
    %dma_wait3A_139 = tpu.memref_slice %arg6[%dma_wait3A, %dma_wait3A_137, %dma_wait3A_138] : memref<8x128x64xf32, #tpu.memory_space<vmem>> -> memref<1x128x64xf32, #tpu.memory_space<vmem>>
    %dma_wait3A_140 = tpu.memref_squeeze %dma_wait3A_139 : memref<1x128x64xf32, #tpu.memory_space<vmem>> -> memref<128x64xf32, #tpu.memory_space<vmem>>
    %dma_wait3A_141 = arith.constant 0 : i32
    %dma_wait3A_142 = tpu.memref_slice %arg5[%dma_wait3A_135, %dma_wait3A_141] : memref<158x128xi32, #tpu.memory_space<vmem>> -> memref<1x128xi32, #tpu.memory_space<vmem>>
    %dma_wait3A_143 = tpu.memref_squeeze %dma_wait3A_142 : memref<1x128xi32, #tpu.memory_space<vmem>> -> memref<128xi32, #tpu.memory_space<vmem>>
    %dma_wait3A_144 = arith.constant 0 : i32
    %dma_wait3A_145 = arith.constant 0 : i32
    %dma_wait3A_146 = tpu.memref_slice %arg7[%dma_wait3A_144, %dma_wait3A_145] : memref<10240x64xf32, #tpu.memory_space<vmem_shared>> -> memref<10240x64xf32, #tpu.memory_space<vmem_shared>>
    %dma_wait3A_147 = tpu.memref_slice %arg9[%dma_wait3A_136] : memref<8x!tpu.dma_semaphore, #tpu.memory_space<semaphore_mem>> -> memref<1x!tpu.dma_semaphore, #tpu.memory_space<semaphore_mem>>
    %dma_wait3A_148 = tpu.memref_squeeze %dma_wait3A_147 : memref<1x!tpu.dma_semaphore, #tpu.memory_space<semaphore_mem>> -> memref<!tpu.dma_semaphore, #tpu.memory_space<semaphore_mem>>
    tpu.wait_indirect_dma semaphore(%dma_wait3A_148 : memref<!tpu.dma_semaphore, #tpu.memory_space<semaphore_mem>>) src(%dma_wait3A_140 : memref<128x64xf32, #tpu.memory_space<vmem>>) dst(%dma_wait3A_146 : memref<10240x64xf32, #tpu.memory_space<vmem_shared>>)
    %dma_wait3A_149 = arith.constant 1 : i32
    %dma_wait3A_150 = arith.constant 0 : i32
    %dma_wait3A_151 = arith.constant 1 : i32
    %dma_wait3A_152 = arith.constant 0 : i32
    %dma_wait3A_153 = arith.constant 0 : i32
    %dma_wait3A_154 = tpu.memref_slice %arg6[%dma_wait3A_149, %dma_wait3A_152, %dma_wait3A_153] : memref<8x128x64xf32, #tpu.memory_space<vmem>> -> memref<1x128x64xf32, #tpu.memory_space<vmem>>
    %dma_wait3A_155 = tpu.memref_squeeze %dma_wait3A_154 : memref<1x128x64xf32, #tpu.memory_space<vmem>> -> memref<128x64xf32, #tpu.memory_space<vmem>>
    %dma_wait3A_156 = arith.constant 0 : i32
    %dma_wait3A_157 = tpu.memref_slice %arg5[%dma_wait3A_150, %dma_wait3A_156] : memref<158x128xi32, #tpu.memory_space<vmem>> -> memref<1x128xi32, #tpu.memory_space<vmem>>
    %dma_wait3A_158 = tpu.memref_squeeze %dma_wait3A_157 : memref<1x128xi32, #tpu.memory_space<vmem>> -> memref<128xi32, #tpu.memory_space<vmem>>
    %dma_wait3A_159 = arith.constant 0 : i32
    %dma_wait3A_160 = arith.constant 0 : i32
    %dma_wait3A_161 = tpu.memref_slice %arg7[%dma_wait3A_159, %dma_wait3A_160] : memref<10240x64xf32, #tpu.memory_space<vmem_shared>> -> memref<10240x64xf32, #tpu.memory_space<vmem_shared>>
    %dma_wait3A_162 = tpu.memref_slice %arg9[%dma_wait3A_151] : memref<8x!tpu.dma_semaphore, #tpu.memory_space<semaphore_mem>> -> memref<1x!tpu.dma_semaphore, #tpu.memory_space<semaphore_mem>>
    %dma_wait3A_163 = tpu.memref_squeeze %dma_wait3A_162 : memref<1x!tpu.dma_semaphore, #tpu.memory_space<semaphore_mem>> -> memref<!tpu.dma_semaphore, #tpu.memory_space<semaphore_mem>>
    tpu.wait_indirect_dma semaphore(%dma_wait3A_163 : memref<!tpu.dma_semaphore, #tpu.memory_space<semaphore_mem>>) src(%dma_wait3A_155 : memref<128x64xf32, #tpu.memory_space<vmem>>) dst(%dma_wait3A_161 : memref<10240x64xf32, #tpu.memory_space<vmem_shared>>)
    %dma_wait3A_164 = arith.constant 2 : i32
    %dma_wait3A_165 = arith.constant 0 : i32
    %dma_wait3A_166 = arith.constant 2 : i32
    %dma_wait3A_167 = arith.constant 0 : i32
    %dma_wait3A_168 = arith.constant 0 : i32
    %dma_wait3A_169 = tpu.memref_slice %arg6[%dma_wait3A_164, %dma_wait3A_167, %dma_wait3A_168] : memref<8x128x64xf32, #tpu.memory_space<vmem>> -> memref<1x128x64xf32, #tpu.memory_space<vmem>>
    %dma_wait3A_170 = tpu.memref_squeeze %dma_wait3A_169 : memref<1x128x64xf32, #tpu.memory_space<vmem>> -> memref<128x64xf32, #tpu.memory_space<vmem>>
    %dma_wait3A_171 = arith.constant 0 : i32
    %dma_wait3A_172 = tpu.memref_slice %arg5[%dma_wait3A_165, %dma_wait3A_171] : memref<158x128xi32, #tpu.memory_space<vmem>> -> memref<1x128xi32, #tpu.memory_space<vmem>>
    %dma_wait3A_173 = tpu.memref_squeeze %dma_wait3A_172 : memref<1x128xi32, #tpu.memory_space<vmem>> -> memref<128xi32, #tpu.memory_space<vmem>>
    %dma_wait3A_174 = arith.constant 0 : i32
    %dma_wait3A_175 = arith.constant 0 : i32
    %dma_wait3A_176 = tpu.memref_slice %arg7[%dma_wait3A_174, %dma_wait3A_175] : memref<10240x64xf32, #tpu.memory_space<vmem_shared>> -> memref<10240x64xf32, #tpu.memory_space<vmem_shared>>
    %dma_wait3A_177 = tpu.memref_slice %arg9[%dma_wait3A_166] : memref<8x!tpu.dma_semaphore, #tpu.memory_space<semaphore_mem>> -> memref<1x!tpu.dma_semaphore, #tpu.memory_space<semaphore_mem>>
    %dma_wait3A_178 = tpu.memref_squeeze %dma_wait3A_177 : memref<1x!tpu.dma_semaphore, #tpu.memory_space<semaphore_mem>> -> memref<!tpu.dma_semaphore, #tpu.memory_space<semaphore_mem>>
    tpu.wait_indirect_dma semaphore(%dma_wait3A_178 : memref<!tpu.dma_semaphore, #tpu.memory_space<semaphore_mem>>) src(%dma_wait3A_170 : memref<128x64xf32, #tpu.memory_space<vmem>>) dst(%dma_wait3A_176 : memref<10240x64xf32, #tpu.memory_space<vmem_shared>>)
    %dma_wait3A_179 = arith.constant 3 : i32
    %dma_wait3A_180 = arith.constant 0 : i32
    %dma_wait3A_181 = arith.constant 3 : i32
    %dma_wait3A_182 = arith.constant 0 : i32
    %dma_wait3A_183 = arith.constant 0 : i32
    %dma_wait3A_184 = tpu.memref_slice %arg6[%dma_wait3A_179, %dma_wait3A_182, %dma_wait3A_183] : memref<8x128x64xf32, #tpu.memory_space<vmem>> -> memref<1x128x64xf32, #tpu.memory_space<vmem>>
    %dma_wait3A_185 = tpu.memref_squeeze %dma_wait3A_184 : memref<1x128x64xf32, #tpu.memory_space<vmem>> -> memref<128x64xf32, #tpu.memory_space<vmem>>
    %dma_wait3A_186 = arith.constant 0 : i32
    %dma_wait3A_187 = tpu.memref_slice %arg5[%dma_wait3A_180, %dma_wait3A_186] : memref<158x128xi32, #tpu.memory_space<vmem>> -> memref<1x128xi32, #tpu.memory_space<vmem>>
    %dma_wait3A_188 = tpu.memref_squeeze %dma_wait3A_187 : memref<1x128xi32, #tpu.memory_space<vmem>> -> memref<128xi32, #tpu.memory_space<vmem>>
    %dma_wait3A_189 = arith.constant 0 : i32
    %dma_wait3A_190 = arith.constant 0 : i32
    %dma_wait3A_191 = tpu.memref_slice %arg7[%dma_wait3A_189, %dma_wait3A_190] : memref<10240x64xf32, #tpu.memory_space<vmem_shared>> -> memref<10240x64xf32, #tpu.memory_space<vmem_shared>>
    %dma_wait3A_192 = tpu.memref_slice %arg9[%dma_wait3A_181] : memref<8x!tpu.dma_semaphore, #tpu.memory_space<semaphore_mem>> -> memref<1x!tpu.dma_semaphore, #tpu.memory_space<semaphore_mem>>
    %dma_wait3A_193 = tpu.memref_squeeze %dma_wait3A_192 : memref<1x!tpu.dma_semaphore, #tpu.memory_space<semaphore_mem>> -> memref<!tpu.dma_semaphore, #tpu.memory_space<semaphore_mem>>
    tpu.wait_indirect_dma semaphore(%dma_wait3A_193 : memref<!tpu.dma_semaphore, #tpu.memory_space<semaphore_mem>>) src(%dma_wait3A_185 : memref<128x64xf32, #tpu.memory_space<vmem>>) dst(%dma_wait3A_191 : memref<10240x64xf32, #tpu.memory_space<vmem_shared>>)
    %dma_wait3A_194 = arith.constant 4 : i32
    %dma_wait3A_195 = arith.constant 0 : i32
    %dma_wait3A_196 = arith.constant 4 : i32
    %dma_wait3A_197 = arith.constant 0 : i32
    %dma_wait3A_198 = arith.constant 0 : i32
    %dma_wait3A_199 = tpu.memref_slice %arg6[%dma_wait3A_194, %dma_wait3A_197, %dma_wait3A_198] : memref<8x128x64xf32, #tpu.memory_space<vmem>> -> memref<1x128x64xf32, #tpu.memory_space<vmem>>
    %dma_wait3A_200 = tpu.memref_squeeze %dma_wait3A_199 : memref<1x128x64xf32, #tpu.memory_space<vmem>> -> memref<128x64xf32, #tpu.memory_space<vmem>>
    %dma_wait3A_201 = arith.constant 0 : i32
    %dma_wait3A_202 = tpu.memref_slice %arg5[%dma_wait3A_195, %dma_wait3A_201] : memref<158x128xi32, #tpu.memory_space<vmem>> -> memref<1x128xi32, #tpu.memory_space<vmem>>
    %dma_wait3A_203 = tpu.memref_squeeze %dma_wait3A_202 : memref<1x128xi32, #tpu.memory_space<vmem>> -> memref<128xi32, #tpu.memory_space<vmem>>
    %dma_wait3A_204 = arith.constant 0 : i32
    %dma_wait3A_205 = arith.constant 0 : i32
    %dma_wait3A_206 = tpu.memref_slice %arg7[%dma_wait3A_204, %dma_wait3A_205] : memref<10240x64xf32, #tpu.memory_space<vmem_shared>> -> memref<10240x64xf32, #tpu.memory_space<vmem_shared>>
    %dma_wait3A_207 = tpu.memref_slice %arg9[%dma_wait3A_196] : memref<8x!tpu.dma_semaphore, #tpu.memory_space<semaphore_mem>> -> memref<1x!tpu.dma_semaphore, #tpu.memory_space<semaphore_mem>>
    %dma_wait3A_208 = tpu.memref_squeeze %dma_wait3A_207 : memref<1x!tpu.dma_semaphore, #tpu.memory_space<semaphore_mem>> -> memref<!tpu.dma_semaphore, #tpu.memory_space<semaphore_mem>>
    tpu.wait_indirect_dma semaphore(%dma_wait3A_208 : memref<!tpu.dma_semaphore, #tpu.memory_space<semaphore_mem>>) src(%dma_wait3A_200 : memref<128x64xf32, #tpu.memory_space<vmem>>) dst(%dma_wait3A_206 : memref<10240x64xf32, #tpu.memory_space<vmem_shared>>)
    %dma_wait3A_209 = arith.constant 5 : i32
    %dma_wait3A_210 = arith.constant 0 : i32
    %dma_wait3A_211 = arith.constant 5 : i32
    %dma_wait3A_212 = arith.constant 0 : i32
    %dma_wait3A_213 = arith.constant 0 : i32
    %dma_wait3A_214 = tpu.memref_slice %arg6[%dma_wait3A_209, %dma_wait3A_212, %dma_wait3A_213] : memref<8x128x64xf32, #tpu.memory_space<vmem>> -> memref<1x128x64xf32, #tpu.memory_space<vmem>>
    %dma_wait3A_215 = tpu.memref_squeeze %dma_wait3A_214 : memref<1x128x64xf32, #tpu.memory_space<vmem>> -> memref<128x64xf32, #tpu.memory_space<vmem>>
    %dma_wait3A_216 = arith.constant 0 : i32
    %dma_wait3A_217 = tpu.memref_slice %arg5[%dma_wait3A_210, %dma_wait3A_216] : memref<158x128xi32, #tpu.memory_space<vmem>> -> memref<1x128xi32, #tpu.memory_space<vmem>>
    %dma_wait3A_218 = tpu.memref_squeeze %dma_wait3A_217 : memref<1x128xi32, #tpu.memory_space<vmem>> -> memref<128xi32, #tpu.memory_space<vmem>>
    %dma_wait3A_219 = arith.constant 0 : i32
    %dma_wait3A_220 = arith.constant 0 : i32
    %dma_wait3A_221 = tpu.memref_slice %arg7[%dma_wait3A_219, %dma_wait3A_220] : memref<10240x64xf32, #tpu.memory_space<vmem_shared>> -> memref<10240x64xf32, #tpu.memory_space<vmem_shared>>
    %dma_wait3A_222 = tpu.memref_slice %arg9[%dma_wait3A_211] : memref<8x!tpu.dma_semaphore, #tpu.memory_space<semaphore_mem>> -> memref<1x!tpu.dma_semaphore, #tpu.memory_space<semaphore_mem>>
    %dma_wait3A_223 = tpu.memref_squeeze %dma_wait3A_222 : memref<1x!tpu.dma_semaphore, #tpu.memory_space<semaphore_mem>> -> memref<!tpu.dma_semaphore, #tpu.memory_space<semaphore_mem>>
    tpu.wait_indirect_dma semaphore(%dma_wait3A_223 : memref<!tpu.dma_semaphore, #tpu.memory_space<semaphore_mem>>) src(%dma_wait3A_215 : memref<128x64xf32, #tpu.memory_space<vmem>>) dst(%dma_wait3A_221 : memref<10240x64xf32, #tpu.memory_space<vmem_shared>>)
    %dma_wait3A_224 = arith.constant 6 : i32
    %dma_wait3A_225 = arith.constant 0 : i32
    %dma_wait3A_226 = arith.constant 6 : i32
    %dma_wait3A_227 = arith.constant 0 : i32
    %dma_wait3A_228 = arith.constant 0 : i32
    %dma_wait3A_229 = tpu.memref_slice %arg6[%dma_wait3A_224, %dma_wait3A_227, %dma_wait3A_228] : memref<8x128x64xf32, #tpu.memory_space<vmem>> -> memref<1x128x64xf32, #tpu.memory_space<vmem>>
    %dma_wait3A_230 = tpu.memref_squeeze %dma_wait3A_229 : memref<1x128x64xf32, #tpu.memory_space<vmem>> -> memref<128x64xf32, #tpu.memory_space<vmem>>
    %dma_wait3A_231 = arith.constant 0 : i32
    %dma_wait3A_232 = tpu.memref_slice %arg5[%dma_wait3A_225, %dma_wait3A_231] : memref<158x128xi32, #tpu.memory_space<vmem>> -> memref<1x128xi32, #tpu.memory_space<vmem>>
    %dma_wait3A_233 = tpu.memref_squeeze %dma_wait3A_232 : memref<1x128xi32, #tpu.memory_space<vmem>> -> memref<128xi32, #tpu.memory_space<vmem>>
    %dma_wait3A_234 = arith.constant 0 : i32
    %dma_wait3A_235 = arith.constant 0 : i32
    %dma_wait3A_236 = tpu.memref_slice %arg7[%dma_wait3A_234, %dma_wait3A_235] : memref<10240x64xf32, #tpu.memory_space<vmem_shared>> -> memref<10240x64xf32, #tpu.memory_space<vmem_shared>>
    %dma_wait3A_237 = tpu.memref_slice %arg9[%dma_wait3A_226] : memref<8x!tpu.dma_semaphore, #tpu.memory_space<semaphore_mem>> -> memref<1x!tpu.dma_semaphore, #tpu.memory_space<semaphore_mem>>
    %dma_wait3A_238 = tpu.memref_squeeze %dma_wait3A_237 : memref<1x!tpu.dma_semaphore, #tpu.memory_space<semaphore_mem>> -> memref<!tpu.dma_semaphore, #tpu.memory_space<semaphore_mem>>
    tpu.wait_indirect_dma semaphore(%dma_wait3A_238 : memref<!tpu.dma_semaphore, #tpu.memory_space<semaphore_mem>>) src(%dma_wait3A_230 : memref<128x64xf32, #tpu.memory_space<vmem>>) dst(%dma_wait3A_236 : memref<10240x64xf32, #tpu.memory_space<vmem_shared>>)
    %dma_wait3A_239 = arith.constant 7 : i32
    %dma_wait3A_240 = arith.constant 0 : i32
    %dma_wait3A_241 = arith.constant 7 : i32
    %dma_wait3A_242 = arith.constant 0 : i32
    %dma_wait3A_243 = arith.constant 0 : i32
    %dma_wait3A_244 = tpu.memref_slice %arg6[%dma_wait3A_239, %dma_wait3A_242, %dma_wait3A_243] : memref<8x128x64xf32, #tpu.memory_space<vmem>> -> memref<1x128x64xf32, #tpu.memory_space<vmem>>
    %dma_wait3A_245 = tpu.memref_squeeze %dma_wait3A_244 : memref<1x128x64xf32, #tpu.memory_space<vmem>> -> memref<128x64xf32, #tpu.memory_space<vmem>>
    %dma_wait3A_246 = arith.constant 0 : i32
    %dma_wait3A_247 = tpu.memref_slice %arg5[%dma_wait3A_240, %dma_wait3A_246] : memref<158x128xi32, #tpu.memory_space<vmem>> -> memref<1x128xi32, #tpu.memory_space<vmem>>
    %dma_wait3A_248 = tpu.memref_squeeze %dma_wait3A_247 : memref<1x128xi32, #tpu.memory_space<vmem>> -> memref<128xi32, #tpu.memory_space<vmem>>
    %dma_wait3A_249 = arith.constant 0 : i32
    %dma_wait3A_250 = arith.constant 0 : i32
    %dma_wait3A_251 = tpu.memref_slice %arg7[%dma_wait3A_249, %dma_wait3A_250] : memref<10240x64xf32, #tpu.memory_space<vmem_shared>> -> memref<10240x64xf32, #tpu.memory_space<vmem_shared>>
    %dma_wait3A_252 = tpu.memref_slice %arg9[%dma_wait3A_241] : memref<8x!tpu.dma_semaphore, #tpu.memory_space<semaphore_mem>> -> memref<1x!tpu.dma_semaphore, #tpu.memory_space<semaphore_mem>>
    %dma_wait3A_253 = tpu.memref_squeeze %dma_wait3A_252 : memref<1x!tpu.dma_semaphore, #tpu.memory_space<semaphore_mem>> -> memref<!tpu.dma_semaphore, #tpu.memory_space<semaphore_mem>>
    tpu.wait_indirect_dma semaphore(%dma_wait3A_253 : memref<!tpu.dma_semaphore, #tpu.memory_space<semaphore_mem>>) src(%dma_wait3A_245 : memref<128x64xf32, #tpu.memory_space<vmem>>) dst(%dma_wait3A_251 : memref<10240x64xf32, #tpu.memory_space<vmem_shared>>)
    %barrier3A_254 = arith.constant 0 : index
    tpu.barrier barrier_id(%barrier3A_254)
    %mul3A_255 = arith.constant 64 : i32
    %mul3A_256 = arith.muli %arg0, %mul3A_255 : i32
    "tpu.region"() ({
      %run_scoped3A_257 = tpu.sem_alloc : memref<!tpu.dma_semaphore, #tpu.memory_space<semaphore_mem>>
      %dma_start3A_258 = tpu.memref_slice %arg4[%mul3A_17, %mul3A_256] : memref<10240x128xf32, #tpu.memory_space<hbm>> -> memref<640x64xf32, #tpu.memory_space<hbm>>
      %dma_start3A_259 = arith.constant 0 : i32
      %dma_start3A_260 = tpu.memref_slice %arg7[%mul3A_17, %dma_start3A_259] : memref<10240x64xf32, #tpu.memory_space<vmem_shared>> -> memref<640x64xf32, #tpu.memory_space<vmem_shared>>
      tpu.enqueue_dma source(%dma_start3A_260 : memref<640x64xf32, #tpu.memory_space<vmem_shared>>) target(%dma_start3A_258 : memref<640x64xf32, #tpu.memory_space<hbm>>) target_semaphore(%run_scoped3A_257 : memref<!tpu.dma_semaphore, #tpu.memory_space<semaphore_mem>>)
      %dma_wait3A_261 = tpu.memref_slice %arg4[%mul3A_17, %mul3A_256] : memref<10240x128xf32, #tpu.memory_space<hbm>> -> memref<640x64xf32, #tpu.memory_space<hbm>>
      %dma_wait3A_262 = arith.constant 0 : i32
      %dma_wait3A_263 = tpu.memref_slice %arg7[%mul3A_17, %dma_wait3A_262] : memref<10240x64xf32, #tpu.memory_space<vmem_shared>> -> memref<640x64xf32, #tpu.memory_space<vmem_shared>>
      tpu.wait_dma2 semaphore(%run_scoped3A_257 : memref<!tpu.dma_semaphore, #tpu.memory_space<semaphore_mem>>) src(%dma_wait3A_263 : memref<640x64xf32, #tpu.memory_space<vmem_shared>>) dst(%dma_wait3A_261 : memref<640x64xf32, #tpu.memory_space<hbm>>)
      tpu.yield
    }) : () -> ()
    return
  }
}

module attributes {stable_mosaic.version = 14 : i64} {
  func.func @_dense_a2_body(%arg0: i32, %arg1: memref<2000x128xf32, #tpu.memory_space<vmem>>, %arg2: memref<64x128xf32, #tpu.memory_space<vmem>>, %arg3: memref<1x64xf32, #tpu.memory_space<vmem>>, %arg4: memref<64x64xf32, #tpu.memory_space<vmem>>, %arg5: memref<1x64xf32, #tpu.memory_space<vmem>>, %arg6: memref<64x128xf32, #tpu.memory_space<vmem>>, %arg7: memref<1x128xf32, #tpu.memory_space<vmem>>, %arg8: memref<64x128xf32, #tpu.memory_space<vmem>>, %arg9: memref<64x128xf32, #tpu.memory_space<vmem>>, %arg10: memref<1x64xf32, #tpu.memory_space<vmem>>, %arg11: memref<2000x64xf32, #tpu.memory_space<vmem>>) attributes {dimension_semantics = [#tpu.dimension_semantics<arbitrary>], iteration_bounds = array<i64: 5>, scalar_prefetch = 0 : i64, scratch_operands = 0 : i64, tpu.core_type = #tpu.core_type<tc>, window_params = [{transform_indices = @transform_0, window_bounds = array<i64: 2000, 128>}, {pipeline_mode = #tpu.pipeline_mode<synchronous>, transform_indices = @transform_1, window_bounds = array<i64: 64, 128>}, {pipeline_mode = #tpu.pipeline_mode<synchronous>, transform_indices = @transform_2, window_bounds = array<i64: 1, 64>}, {pipeline_mode = #tpu.pipeline_mode<synchronous>, transform_indices = @transform_3, window_bounds = array<i64: 64, 64>}, {pipeline_mode = #tpu.pipeline_mode<synchronous>, transform_indices = @transform_4, window_bounds = array<i64: 1, 64>}, {pipeline_mode = #tpu.pipeline_mode<synchronous>, transform_indices = @transform_5, window_bounds = array<i64: 64, 128>}, {pipeline_mode = #tpu.pipeline_mode<synchronous>, transform_indices = @transform_6, window_bounds = array<i64: 1, 128>}, {pipeline_mode = #tpu.pipeline_mode<synchronous>, transform_indices = @transform_7, window_bounds = array<i64: 64, 128>}, {pipeline_mode = #tpu.pipeline_mode<synchronous>, transform_indices = @transform_8, window_bounds = array<i64: 64, 128>}, {pipeline_mode = #tpu.pipeline_mode<synchronous>, transform_indices = @transform_9, window_bounds = array<i64: 1, 64>}, {transform_indices = @transform_10, window_bounds = array<i64: 2000, 64>}]} {
    %get3A = arith.constant 0 : index
    %get3A_0 = arith.constant 0 : index
    %get3A_1 = vector.load %arg1[%get3A, %get3A_0] : memref<2000x128xf32, #tpu.memory_space<vmem>>, vector<2000x128xf32>
    %get3A_2 = arith.constant 0 : index
    %get3A_3 = arith.constant 0 : index
    %get3A_4 = vector.load %arg2[%get3A_2, %get3A_3] : memref<64x128xf32, #tpu.memory_space<vmem>>, vector<64x128xf32>
    %dot_general3A = arith.constant dense<0.000000e+00> : vector<2000x64xf32>
    %dot_general3A_5 = tpu.matmul %get3A_1, %get3A_4, %dot_general3A {dimension_numbers = #tpu.dot_dimension_numbers<[1], [1], [0], [0], [0, 0, 1, 0], [], []>, transpose_lhs_hint = false} : vector<2000x128xf32>, vector<64x128xf32>, vector<2000x64xf32> -> vector<2000x64xf32>
    %get3A_6 = arith.constant 0 : index
    %get3A_7 = arith.constant 0 : index
    %get3A_8 = vector.load %arg3[%get3A_6, %get3A_7] : memref<1x64xf32, #tpu.memory_space<vmem>>, vector<1x64xf32>
    %add3A = vector.broadcast %get3A_8 : vector<1x64xf32> to vector<2000x64xf32>
    %add3A_9 = arith.addf %dot_general3A_5, %add3A : vector<2000x64xf32>
    %max3A = arith.constant 0.000000e+00 : f32
    %max3A_10 = vector.broadcast %max3A : f32 to vector<2000x64xf32>
    %max3A_11 = arith.maximumf %add3A_9, %max3A_10 : vector<2000x64xf32>
    %get3A_12 = arith.constant 0 : index
    %get3A_13 = arith.constant 0 : index
    %get3A_14 = vector.load %arg4[%get3A_12, %get3A_13] : memref<64x64xf32, #tpu.memory_space<vmem>>, vector<64x64xf32>
    %dot_general3A_15 = arith.constant dense<0.000000e+00> : vector<2000x64xf32>
    %dot_general3A_16 = tpu.matmul %max3A_11, %get3A_14, %dot_general3A_15 {dimension_numbers = #tpu.dot_dimension_numbers<[1], [0], [0], [1], [0, 0, 1, 1], [], []>, transpose_lhs_hint = false} : vector<2000x64xf32>, vector<64x64xf32>, vector<2000x64xf32> -> vector<2000x64xf32>
    %get3A_17 = arith.constant 0 : index
    %get3A_18 = arith.constant 0 : index
    %get3A_19 = vector.load %arg5[%get3A_17, %get3A_18] : memref<1x64xf32, #tpu.memory_space<vmem>>, vector<1x64xf32>
    %add3A_20 = vector.broadcast %get3A_19 : vector<1x64xf32> to vector<2000x64xf32>
    %add3A_21 = arith.addf %dot_general3A_16, %add3A_20 : vector<2000x64xf32>
    %max3A_22 = arith.constant 0.000000e+00 : f32
    %max3A_23 = vector.broadcast %max3A_22 : f32 to vector<2000x64xf32>
    %max3A_24 = arith.maximumf %add3A_21, %max3A_23 : vector<2000x64xf32>
    %get3A_25 = arith.constant 0 : index
    %get3A_26 = arith.constant 0 : index
    %get3A_27 = vector.load %arg6[%get3A_25, %get3A_26] : memref<64x128xf32, #tpu.memory_space<vmem>>, vector<64x128xf32>
    %dot_general3A_28 = arith.constant dense<0.000000e+00> : vector<2000x128xf32>
    %dot_general3A_29 = tpu.matmul %max3A_24, %get3A_27, %dot_general3A_28 {dimension_numbers = #tpu.dot_dimension_numbers<[1], [0], [0], [1], [0, 0, 1, 1], [], []>, transpose_lhs_hint = false} : vector<2000x64xf32>, vector<64x128xf32>, vector<2000x128xf32> -> vector<2000x128xf32>
    %get3A_30 = arith.constant 0 : index
    %get3A_31 = arith.constant 0 : index
    %get3A_32 = vector.load %arg7[%get3A_30, %get3A_31] : memref<1x128xf32, #tpu.memory_space<vmem>>, vector<1x128xf32>
    %add3A_33 = vector.broadcast %get3A_32 : vector<1x128xf32> to vector<2000x128xf32>
    %add3A_34 = arith.addf %dot_general3A_29, %add3A_33 : vector<2000x128xf32>
    %get3A_35 = arith.constant 0 : index
    %get3A_36 = arith.constant 0 : index
    %get3A_37 = vector.load %arg8[%get3A_35, %get3A_36] : memref<64x128xf32, #tpu.memory_space<vmem>>, vector<64x128xf32>
    %dot_general3A_38 = arith.constant dense<0.000000e+00> : vector<2000x64xf32>
    %dot_general3A_39 = tpu.matmul %add3A_34, %get3A_37, %dot_general3A_38 {dimension_numbers = #tpu.dot_dimension_numbers<[1], [1], [0], [0], [0, 0, 1, 0], [], []>, transpose_lhs_hint = false} : vector<2000x128xf32>, vector<64x128xf32>, vector<2000x64xf32> -> vector<2000x64xf32>
    %get3A_40 = arith.constant 0 : index
    %get3A_41 = arith.constant 0 : index
    %get3A_42 = vector.load %arg9[%get3A_40, %get3A_41] : memref<64x128xf32, #tpu.memory_space<vmem>>, vector<64x128xf32>
    %dot_general3A_43 = arith.constant dense<0.000000e+00> : vector<2000x64xf32>
    %dot_general3A_44 = tpu.matmul %get3A_1, %get3A_42, %dot_general3A_43 {dimension_numbers = #tpu.dot_dimension_numbers<[1], [1], [0], [0], [0, 0, 1, 0], [], []>, transpose_lhs_hint = false} : vector<2000x128xf32>, vector<64x128xf32>, vector<2000x64xf32> -> vector<2000x64xf32>
    %add3A_45 = arith.addf %dot_general3A_39, %dot_general3A_44 : vector<2000x64xf32>
    %get3A_46 = arith.constant 0 : index
    %get3A_47 = arith.constant 0 : index
    %get3A_48 = vector.load %arg10[%get3A_46, %get3A_47] : memref<1x64xf32, #tpu.memory_space<vmem>>, vector<1x64xf32>
    %add3A_49 = vector.broadcast %get3A_48 : vector<1x64xf32> to vector<2000x64xf32>
    %add3A_50 = arith.addf %add3A_45, %add3A_49 : vector<2000x64xf32>
    %swap3A = arith.constant 0 : index
    %swap3A_51 = arith.constant 0 : index
    %swap3A_52 = vector.load %arg11[%swap3A, %swap3A_51] : memref<2000x64xf32, #tpu.memory_space<vmem>>, vector<2000x64xf32>
    tpu.vector_store %arg11[%swap3A, %swap3A_51], %add3A_50 {strides = array<i32>} : memref<2000x64xf32, #tpu.memory_space<vmem>>, vector<2000x64xf32>,
    return
  }
  func.func @transform_0(%arg0: i32) -> (i32, i32) {
    %c0_i32 = arith.constant 0 : i32
    %c0_i32_0 = arith.constant 0 : i32
    return %arg0, %c0_i32 : i32, i32
  }
  func.func @transform_1(%arg0: i32) -> (i32, i32) {
    %c0_i32 = arith.constant 0 : i32
    %c0_i32_0 = arith.constant 0 : i32
    %c0_i32_1 = arith.constant 0 : i32
    return %c0_i32, %c0_i32_0 : i32, i32
  }
  func.func @transform_2(%arg0: i32) -> (i32, i32) {
    %c0_i32 = arith.constant 0 : i32
    %c0_i32_0 = arith.constant 0 : i32
    %c0_i32_1 = arith.constant 0 : i32
    return %c0_i32, %c0_i32_0 : i32, i32
  }
  func.func @transform_3(%arg0: i32) -> (i32, i32) {
    %c0_i32 = arith.constant 0 : i32
    %c0_i32_0 = arith.constant 0 : i32
    %c0_i32_1 = arith.constant 0 : i32
    return %c0_i32, %c0_i32_0 : i32, i32
  }
  func.func @transform_4(%arg0: i32) -> (i32, i32) {
    %c0_i32 = arith.constant 0 : i32
    %c0_i32_0 = arith.constant 0 : i32
    %c0_i32_1 = arith.constant 0 : i32
    return %c0_i32, %c0_i32_0 : i32, i32
  }
  func.func @transform_5(%arg0: i32) -> (i32, i32) {
    %c0_i32 = arith.constant 0 : i32
    %c0_i32_0 = arith.constant 0 : i32
    %c0_i32_1 = arith.constant 0 : i32
    return %c0_i32, %c0_i32_0 : i32, i32
  }
  func.func @transform_6(%arg0: i32) -> (i32, i32) {
    %c0_i32 = arith.constant 0 : i32
    %c0_i32_0 = arith.constant 0 : i32
    %c0_i32_1 = arith.constant 0 : i32
    return %c0_i32, %c0_i32_0 : i32, i32
  }
  func.func @transform_7(%arg0: i32) -> (i32, i32) {
    %c0_i32 = arith.constant 0 : i32
    %c0_i32_0 = arith.constant 0 : i32
    %c0_i32_1 = arith.constant 0 : i32
    return %c0_i32, %c0_i32_0 : i32, i32
  }
  func.func @transform_8(%arg0: i32) -> (i32, i32) {
    %c0_i32 = arith.constant 0 : i32
    %c0_i32_0 = arith.constant 0 : i32
    %c0_i32_1 = arith.constant 0 : i32
    return %c0_i32, %c0_i32_0 : i32, i32
  }
  func.func @transform_9(%arg0: i32) -> (i32, i32) {
    %c0_i32 = arith.constant 0 : i32
    %c0_i32_0 = arith.constant 0 : i32
    %c0_i32_1 = arith.constant 0 : i32
    return %c0_i32, %c0_i32_0 : i32, i32
  }
  func.func @transform_10(%arg0: i32) -> (i32, i32) {
    %c0_i32 = arith.constant 0 : i32
    %c0_i32_0 = arith.constant 0 : i32
    return %arg0, %c0_i32 : i32, i32
  }
}

module attributes {stable_mosaic.version = 14 : i64} {
  func.func @_final_body(%arg0: i32, %arg1: memref<10000x128xf32, #tpu.memory_space<vmem>>, %arg2: memref<10000x64xf32, #tpu.memory_space<vmem>>, %arg3: memref<64x10000xf32, #tpu.memory_space<vmem>>) attributes {dimension_semantics = [#tpu.dimension_semantics<arbitrary>], iteration_bounds = array<i64: 1>, scalar_prefetch = 0 : i64, scratch_operands = 0 : i64, tpu.core_type = #tpu.core_type<tc>, window_params = [{transform_indices = @transform_0, window_bounds = array<i64: 10000, 128>}, {pipeline_mode = #tpu.pipeline_mode<synchronous>, transform_indices = @transform_1, window_bounds = array<i64: 10000, 64>}, {pipeline_mode = #tpu.pipeline_mode<synchronous>, transform_indices = @transform_2, window_bounds = array<i64: 64, 10000>}]} {
    %get3A = arith.constant 0 : index
    %get3A_0 = arith.constant 0 : index
    %get3A_1 = vector.load %arg1[%get3A, %get3A_0] : memref<10000x128xf32, #tpu.memory_space<vmem>>, vector<10000x64xf32>
    %get3A_2 = arith.constant 0 : index
    %get3A_3 = arith.constant 64 : index
    %get3A_4 = vector.load %arg1[%get3A_2, %get3A_3] : memref<10000x128xf32, #tpu.memory_space<vmem>>, vector<10000x64xf32>
    %add3A = arith.addf %get3A_1, %get3A_4 : vector<10000x64xf32>
    %get3A_5 = arith.constant 0 : index
    %get3A_6 = arith.constant 0 : index
    %get3A_7 = vector.load %arg2[%get3A_5, %get3A_6] : memref<10000x64xf32, #tpu.memory_space<vmem>>, vector<10000x64xf32>
    %add3A_8 = arith.addf %add3A, %get3A_7 : vector<10000x64xf32>
    %max3A = arith.constant 0.000000e+00 : f32
    %max3A_9 = vector.broadcast %max3A : f32 to vector<10000x64xf32>
    %max3A_10 = arith.maximumf %add3A_8, %max3A_9 : vector<10000x64xf32>
    %transpose3A = tpu.transpose %max3A_10, [1, 0] : vector<10000x64xf32> -> vector<64x10000xf32>
    %swap3A = arith.constant 0 : index
    %swap3A_11 = arith.constant 0 : index
    %swap3A_12 = vector.load %arg3[%swap3A, %swap3A_11] : memref<64x10000xf32, #tpu.memory_space<vmem>>, vector<64x10000xf32>
    tpu.vector_store %arg3[%swap3A, %swap3A_11], %transpose3A {strides = array<i32>} : memref<64x10000xf32, #tpu.memory_space<vmem>>, vector<64x10000xf32>,
    return
  }
  func.func @transform_0(%arg0: i32) -> (i32, i32) {
    %c0_i32 = arith.constant 0 : i32
    %c0_i32_0 = arith.constant 0 : i32
    %c0_i32_1 = arith.constant 0 : i32
    return %c0_i32, %c0_i32_0 : i32, i32
  }
  func.func @transform_1(%arg0: i32) -> (i32, i32) {
    %c0_i32 = arith.constant 0 : i32
    %c0_i32_0 = arith.constant 0 : i32
    %c0_i32_1 = arith.constant 0 : i32
    return %c0_i32, %c0_i32_0 : i32, i32
  }
  func.func @transform_2(%arg0: i32) -> (i32, i32) {
    %c0_i32 = arith.constant 0 : i32
    %c0_i32_0 = arith.constant 0 : i32
    %c0_i32_1 = arith.constant 0 : i32
    return %c0_i32, %c0_i32_0 : i32, i32
  }
}

module attributes {stable_mosaic.version = 14 : i64} {
  func.func @_dense_a1_body(%arg0: i32, %arg1: memref<2000x128xf32, #tpu.memory_space<vmem>>, %arg2: memref<64x128xf32, #tpu.memory_space<vmem>>, %arg3: memref<1x64xf32, #tpu.memory_space<vmem>>, %arg4: memref<64x64xf32, #tpu.memory_space<vmem>>, %arg5: memref<1x64xf32, #tpu.memory_space<vmem>>, %arg6: memref<64x128xf32, #tpu.memory_space<vmem>>, %arg7: memref<1x128xf32, #tpu.memory_space<vmem>>, %arg8: memref<64x128xf32, #tpu.memory_space<vmem>>, %arg9: memref<2000x128xf32, #tpu.memory_space<vmem>>) attributes {dimension_semantics = [#tpu.dimension_semantics<arbitrary>], iteration_bounds = array<i64: 5>, scalar_prefetch = 0 : i64, scratch_operands = 0 : i64, tpu.core_type = #tpu.core_type<tc>, window_params = [{transform_indices = @transform_0, window_bounds = array<i64: 2000, 128>}, {pipeline_mode = #tpu.pipeline_mode<synchronous>, transform_indices = @transform_1, window_bounds = array<i64: 64, 128>}, {pipeline_mode = #tpu.pipeline_mode<synchronous>, transform_indices = @transform_2, window_bounds = array<i64: 1, 64>}, {pipeline_mode = #tpu.pipeline_mode<synchronous>, transform_indices = @transform_3, window_bounds = array<i64: 64, 64>}, {pipeline_mode = #tpu.pipeline_mode<synchronous>, transform_indices = @transform_4, window_bounds = array<i64: 1, 64>}, {pipeline_mode = #tpu.pipeline_mode<synchronous>, transform_indices = @transform_5, window_bounds = array<i64: 64, 128>}, {pipeline_mode = #tpu.pipeline_mode<synchronous>, transform_indices = @transform_6, window_bounds = array<i64: 1, 128>}, {pipeline_mode = #tpu.pipeline_mode<synchronous>, transform_indices = @transform_7, window_bounds = array<i64: 64, 128>}, {transform_indices = @transform_8, window_bounds = array<i64: 2000, 128>}]} {
    %get3A = arith.constant 0 : index
    %get3A_0 = arith.constant 0 : index
    %get3A_1 = vector.load %arg1[%get3A, %get3A_0] : memref<2000x128xf32, #tpu.memory_space<vmem>>, vector<2000x128xf32>
    %get3A_2 = arith.constant 0 : index
    %get3A_3 = arith.constant 0 : index
    %get3A_4 = vector.load %arg2[%get3A_2, %get3A_3] : memref<64x128xf32, #tpu.memory_space<vmem>>, vector<64x128xf32>
    %dot_general3A = arith.constant dense<0.000000e+00> : vector<2000x64xf32>
    %dot_general3A_5 = tpu.matmul %get3A_1, %get3A_4, %dot_general3A {dimension_numbers = #tpu.dot_dimension_numbers<[1], [1], [0], [0], [0, 0, 1, 0], [], []>, transpose_lhs_hint = false} : vector<2000x128xf32>, vector<64x128xf32>, vector<2000x64xf32> -> vector<2000x64xf32>
    %get3A_6 = arith.constant 0 : index
    %get3A_7 = arith.constant 0 : index
    %get3A_8 = vector.load %arg3[%get3A_6, %get3A_7] : memref<1x64xf32, #tpu.memory_space<vmem>>, vector<1x64xf32>
    %add3A = vector.broadcast %get3A_8 : vector<1x64xf32> to vector<2000x64xf32>
    %add3A_9 = arith.addf %dot_general3A_5, %add3A : vector<2000x64xf32>
    %max3A = arith.constant 0.000000e+00 : f32
    %max3A_10 = vector.broadcast %max3A : f32 to vector<2000x64xf32>
    %max3A_11 = arith.maximumf %add3A_9, %max3A_10 : vector<2000x64xf32>
    %get3A_12 = arith.constant 0 : index
    %get3A_13 = arith.constant 0 : index
    %get3A_14 = vector.load %arg4[%get3A_12, %get3A_13] : memref<64x64xf32, #tpu.memory_space<vmem>>, vector<64x64xf32>
    %dot_general3A_15 = arith.constant dense<0.000000e+00> : vector<2000x64xf32>
    %dot_general3A_16 = tpu.matmul %max3A_11, %get3A_14, %dot_general3A_15 {dimension_numbers = #tpu.dot_dimension_numbers<[1], [0], [0], [1], [0, 0, 1, 1], [], []>, transpose_lhs_hint = false} : vector<2000x64xf32>, vector<64x64xf32>, vector<2000x64xf32> -> vector<2000x64xf32>
    %get3A_17 = arith.constant 0 : index
    %get3A_18 = arith.constant 0 : index
    %get3A_19 = vector.load %arg5[%get3A_17, %get3A_18] : memref<1x64xf32, #tpu.memory_space<vmem>>, vector<1x64xf32>
    %add3A_20 = vector.broadcast %get3A_19 : vector<1x64xf32> to vector<2000x64xf32>
    %add3A_21 = arith.addf %dot_general3A_16, %add3A_20 : vector<2000x64xf32>
    %max3A_22 = arith.constant 0.000000e+00 : f32
    %max3A_23 = vector.broadcast %max3A_22 : f32 to vector<2000x64xf32>
    %max3A_24 = arith.maximumf %add3A_21, %max3A_23 : vector<2000x64xf32>
    %get3A_25 = arith.constant 0 : index
    %get3A_26 = arith.constant 0 : index
    %get3A_27 = vector.load %arg6[%get3A_25, %get3A_26] : memref<64x128xf32, #tpu.memory_space<vmem>>, vector<64x128xf32>
    %dot_general3A_28 = arith.constant dense<0.000000e+00> : vector<2000x128xf32>
    %dot_general3A_29 = tpu.matmul %max3A_24, %get3A_27, %dot_general3A_28 {dimension_numbers = #tpu.dot_dimension_numbers<[1], [0], [0], [1], [0, 0, 1, 1], [], []>, transpose_lhs_hint = false} : vector<2000x64xf32>, vector<64x128xf32>, vector<2000x128xf32> -> vector<2000x128xf32>
    %get3A_30 = arith.constant 0 : index
    %get3A_31 = arith.constant 0 : index
    %get3A_32 = vector.load %arg7[%get3A_30, %get3A_31] : memref<1x128xf32, #tpu.memory_space<vmem>>, vector<1x128xf32>
    %add3A_33 = vector.broadcast %get3A_32 : vector<1x128xf32> to vector<2000x128xf32>
    %add3A_34 = arith.addf %dot_general3A_29, %add3A_33 : vector<2000x128xf32>
    %get3A_35 = arith.constant 0 : index
    %get3A_36 = arith.constant 0 : index
    %get3A_37 = vector.load %arg8[%get3A_35, %get3A_36] : memref<64x128xf32, #tpu.memory_space<vmem>>, vector<64x128xf32>
    %dot_general3A_38 = arith.constant dense<0.000000e+00> : vector<2000x64xf32>
    %dot_general3A_39 = tpu.matmul %add3A_34, %get3A_37, %dot_general3A_38 {dimension_numbers = #tpu.dot_dimension_numbers<[1], [1], [0], [0], [0, 0, 1, 0], [], []>, transpose_lhs_hint = false} : vector<2000x128xf32>, vector<64x128xf32>, vector<2000x64xf32> -> vector<2000x64xf32>
    %broadcast_in_dim3A = arith.constant 0.000000e+00 : f32
    %broadcast_in_dim3A_40 = vector.broadcast %broadcast_in_dim3A : f32 to vector<2000x64xf32>
    %concatenate3A = tpu.concatenate %dot_general3A_39, %broadcast_in_dim3A_40 in 1 : vector<2000x64xf32>, vector<2000x64xf32> -> vector<2000x128xf32>
    %swap3A = arith.constant 0 : index
    %swap3A_41 = arith.constant 0 : index
    %swap3A_42 = vector.load %arg9[%swap3A, %swap3A_41] : memref<2000x128xf32, #tpu.memory_space<vmem>>, vector<2000x128xf32>
    tpu.vector_store %arg9[%swap3A, %swap3A_41], %concatenate3A {strides = array<i32>} : memref<2000x128xf32, #tpu.memory_space<vmem>>, vector<2000x128xf32>,
    return
  }
  func.func @transform_0(%arg0: i32) -> (i32, i32) {
    %c0_i32 = arith.constant 0 : i32
    %c0_i32_0 = arith.constant 0 : i32
    return %arg0, %c0_i32 : i32, i32
  }
  func.func @transform_1(%arg0: i32) -> (i32, i32) {
    %c0_i32 = arith.constant 0 : i32
    %c0_i32_0 = arith.constant 0 : i32
    %c0_i32_1 = arith.constant 0 : i32
    return %c0_i32, %c0_i32_0 : i32, i32
  }
  func.func @transform_2(%arg0: i32) -> (i32, i32) {
    %c0_i32 = arith.constant 0 : i32
    %c0_i32_0 = arith.constant 0 : i32
    %c0_i32_1 = arith.constant 0 : i32
    return %c0_i32, %c0_i32_0 : i32, i32
  }
  func.func @transform_3(%arg0: i32) -> (i32, i32) {
    %c0_i32 = arith.constant 0 : i32
    %c0_i32_0 = arith.constant 0 : i32
    %c0_i32_1 = arith.constant 0 : i32
    return %c0_i32, %c0_i32_0 : i32, i32
  }
  func.func @transform_4(%arg0: i32) -> (i32, i32) {
    %c0_i32 = arith.constant 0 : i32
    %c0_i32_0 = arith.constant 0 : i32
    %c0_i32_1 = arith.constant 0 : i32
    return %c0_i32, %c0_i32_0 : i32, i32
  }
  func.func @transform_5(%arg0: i32) -> (i32, i32) {
    %c0_i32 = arith.constant 0 : i32
    %c0_i32_0 = arith.constant 0 : i32
    %c0_i32_1 = arith.constant 0 : i32
    return %c0_i32, %c0_i32_0 : i32, i32
  }
  func.func @transform_6(%arg0: i32) -> (i32, i32) {
    %c0_i32 = arith.constant 0 : i32
    %c0_i32_0 = arith.constant 0 : i32
    %c0_i32_1 = arith.constant 0 : i32
    return %c0_i32, %c0_i32_0 : i32, i32
  }
  func.func @transform_7(%arg0: i32) -> (i32, i32) {
    %c0_i32 = arith.constant 0 : i32
    %c0_i32_0 = arith.constant 0 : i32
    %c0_i32_1 = arith.constant 0 : i32
    return %c0_i32, %c0_i32_0 : i32, i32
  }
  func.func @transform_8(%arg0: i32) -> (i32, i32) {
    %c0_i32 = arith.constant 0 : i32
    %c0_i32_0 = arith.constant 0 : i32
    return %arg0, %c0_i32 : i32, i32
  }
}

</mosaic_0001>

<sc_bundles>
// kernel: kernel.6.cloned.1.call-start
scs
__scs_entry_jumppad:
0x0: {  	(pc) =	sbr.rel $0x88, $3  }
0x1: {  	(tag) =	ssettag $0x0;
	lr =	simm.s32 $0x1  }
0x2: {  	[smem:$0x3F93] =	sst lr;
	_ =	strace $0xD0000000  }
0x3: {  	_ = 	snop  }
0x4: {  	_ = 	snop  }
0x5: {  	_ = 	snop  }
0x6: {  	_ = 	snop  }
0x7: {  	_ = 	snop  }
__scs_overlays_trampoline_lowered:
0x8: {  	[smem:$0x3FA2] =	sst s0  }
0x9: {  	[smem:$0x3FA3] =	sst s1  }
0xa: {  	[smem:$0x3FA4] =	sst s2  }
0xb: {  	[smem:$0x3FA5] =	sst s3  }
0xc: {  	[smem:$0x3FA6] =	sst s4  }
0xd: {  	[smem:$0x3FA7] =	sst s5  }
0xe: {  	[smem:$0x3FA8] =	sst s6  }
0xf: {  	[smem:$0x3FA9] =	sst s7  }
0x10: {  	[smem:$0x3FAA] =	sst s8  }
0x11: {  	[smem:$0x3FAB] =	sst s9;
	s0 =	simm.s32 @!p0 $0x0  }
0x12: {  	s1 =	sld [smem:$0x3F91];
	s0 =	simm.s32 @p0 $0x1  }
0x13: {  	[smem:$0x3FAC] =	sst s0;
	s0 =	simm.s32 @!p1 $0x0  }
0x14: {  	s2 =	sld [smem:$0x3F90];
	s0 =	simm.s32 @p1 $0x1  }
0x15: {  	[smem:$0x3FAD] =	sst s0;
	s0 =	simm.s32 @!p2 $0x0  }
0x16: {  	s3 =	sld [smem:$0x3FDB];
	s0 =	simm.s32 @p2 $0x1  }
0x17: {  	s4 =	simm.s32 $0x1BF5;
	[smem:$0x3FAF] =	sst s0  }
0x18: {  	s0 =	sld [smem:$0x3F92];
	_ =	swait.ge [sflag:s4], $0x0  }
0x19: {  	s7 =	sld [smem:$0x3F93]  }
0x1a: {  	s8 =	sadd.s32 $0xFFFFE003, lr  }
0x1b: {  	s9 =	sadd.s32 $0xFFFFFEF7, lr;
	s5 =	simm.s32 $0xFFFFFFFF;
	p2 =	slt.u32 s8, $0xFFFFF086  }
0x1c: {  	p1 =	slt.u32 s9, $0xF7A;
	s5 =	simm.s32 @!p2 $0x0  }
0x1d: {  	s5 =	simm.s32 @p1 $0x1;
	p0 =	seq.s32 s7, s2  }
0x1e: {  	s7 =	smul.u32 @!p0 $0xF7A, s2;
	p2 =	seq.s32 @!p0 s5, $0x0  }
0x1f: {  	s9 =	smul.u32 $0xF7A, s1;
	s8 =	simm.s32 @!p0 $0x1BF5;
	p2 =	por !p2, p0  }
0x20: {  	[sflag:s8] =	ssyncset.s32 @!p0 $0xFFFFF086;
	s6 =	sadd.s32 @!p0 s3, s7;
	s7 =	simm.s32 @!p0 $0x108  }
0x21: {  	s3 =	sadd.s32 s3, s9;
	s6 =	sadd.s32 @!p0 $0x88, s6;
	s7 =	simm.s32 @p2 $0x1082  }
0x22: {  	[simem:s7], [sflag:s8] =	dma.local @!p0 [hbm:s6], $0xF7A  }
0x23: {  	s9 =	sor.u32 $0xD0000000, s2;
	s6 =	simm.s32 $0x108;
	_ =	swait.ge @!p0 [sflag:s8], $0x0  }
0x24: {  	s3 =	sadd.s32 $0x88, s3;
	s6 =	simm.s32 @!p1 $0x1082;
	[sflag:s4] =	ssyncset.s32 $0xFFFFF086  }
0x25: {  	[simem:s6], [sflag:s4] =	dma.local [hbm:s3], $0xF7A  }
0x26: {  	[smem:$0x3F93] =	sst s1;
	(tag) =	ssettag s2;
	_ =	strace s9  }
0x27: {  	s1 =	sld [smem:$0x3FA3]  }
0x28: {  	s2 =	sld [smem:$0x3FA4]  }
0x29: {  	s4 =	sld [smem:$0x3FA6]  }
0x2a: {  	p0 =	seq.s32 s5, $0x0;
	s5 =	sld [smem:$0x3FA7]  }
0x2b: {  	s6 =	sld [smem:$0x3FA8]  }
0x2c: {  	s7 =	sld [smem:$0x3FA9]  }
0x2d: {  	s3 =	simm.s32 $0x108;
	s8 =	sld [smem:$0x3FAA]  }
0x2e: {  	s3 =	simm.s32 @!p0 $0x1082;
	s9 =	sld [smem:$0x3FAB]  }
0x2f: {  	lr =	sadd.s32 s0, s3;
	s0 =	sld [smem:$0x3FA2]  }
0x30: {  	s3 =	sld [smem:$0x3FA5]  }
0x31: {  	[smem:$0x3FAE] =	sst s10  }
0x32: {  	s10 =	sld [smem:$0x3FAC];
	_ =	sdelay $0x3  }
0x33: {  	p0 =	seq.s32 s10, $0x1;
	s10 =	sld [smem:$0x3FAE];
	_ =	sdelay $0x3  }
0x34: {  	[smem:$0x3FAE] =	sst s10  }
0x35: {  	s10 =	sld [smem:$0x3FAD];
	_ =	sdelay $0x3  }
0x36: {  	p1 =	seq.s32 s10, $0x1;
	s10 =	sld [smem:$0x3FAE];
	_ =	sdelay $0x3  }
0x37: {  	[smem:$0x3FAE] =	sst s10  }
0x38: {  	s10 =	sld [smem:$0x3FAF]  }
0x39: {  	_ = 	snop;
	(pc) =	sbr.ind lr, $3  }
0x3a: {  	_ = 	snop  }
0x3b: {  	_ = 	snop  }
0x3c: {  	p2 =	seq.s32 s10, $0x1;
	s10 =	sld [smem:$0x3FAE]  }
0x3d: {  	_ =	shalt  }
0x3e: {  	_ =	shalt  }
0x3f: {  	_ =	shalt  }
0x40: {  	_ =	shalt  }
0x41: {  	_ =	shalt  }
0x42: {  	_ =	shalt  }
0x43: {  	_ =	shalt  }
0x44: {  	_ =	shalt  }
0x45: {  	_ =	shalt  }
0x46: {  	_ =	shalt  }
0x47: {  	_ =	shalt  }
0x48: {  	_ =	shalt  }
0x49: {  	_ =	shalt  }
0x4a: {  	_ =	shalt  }
0x4b: {  	_ =	shalt  }
0x4c: {  	_ =	shalt  }
0x4d: {  	_ =	shalt  }
0x4e: {  	_ =	shalt  }
0x4f: {  	_ =	shalt  }
0x50: {  	_ =	shalt  }
0x51: {  	_ =	shalt  }
0x52: {  	_ =	shalt  }
0x53: {  	_ =	shalt  }
0x54: {  	_ =	shalt  }
0x55: {  	_ =	shalt  }
0x56: {  	_ =	shalt  }
0x57: {  	_ =	shalt  }
0x58: {  	_ =	shalt  }
0x59: {  	_ =	shalt  }
0x5a: {  	_ =	shalt  }
0x5b: {  	_ =	shalt  }
0x5c: {  	_ =	shalt  }
0x5d: {  	_ =	shalt  }
0x5e: {  	_ =	shalt  }
0x5f: {  	_ =	shalt  }
0x60: {  	_ =	shalt  }
0x61: {  	_ =	shalt  }
0x62: {  	_ =	shalt  }
0x63: {  	_ =	shalt  }
0x64: {  	_ =	shalt  }
0x65: {  	_ =	shalt  }
0x66: {  	_ =	shalt  }
0x67: {  	_ =	shalt  }
0x68: {  	_ =	shalt  }
0x69: {  	_ =	shalt  }
0x6a: {  	_ =	shalt  }
0x6b: {  	_ =	shalt  }
0x6c: {  	_ =	shalt  }
0x6d: {  	_ =	shalt  }
0x6e: {  	_ =	shalt  }
0x6f: {  	_ =	shalt  }
0x70: {  	_ =	shalt  }
0x71: {  	_ =	shalt  }
0x72: {  	_ =	shalt  }
0x73: {  	_ =	shalt  }
0x74: {  	_ =	shalt  }
0x75: {  	_ =	shalt  }
0x76: {  	_ =	shalt  }
0x77: {  	_ =	shalt  }
0x78: {  	_ =	shalt  }
0x79: {  	_ =	shalt  }
0x7a: {  	_ =	shalt  }
0x7b: {  	_ =	shalt  }
0x7c: {  	_ =	shalt  }
0x7d: {  	_ =	shalt  }
0x7e: {  	_ =	shalt  }
0x7f: {  	_ =	shalt  }
0x80: {  	_ =	shalt  }
0x81: {  	_ =	shalt  }
0x82: {  	_ =	shalt  }
0x83: {  	_ =	shalt  }
0x84: {  	_ =	shalt  }
0x85: {  	_ =	shalt  }
0x86: {  	_ =	shalt  }
0x87: {  	_ =	shalt  }
.Lfunc_end0:
.L_simem_size_0:
called_computation_lowered:
.L_overlay_start_0:
0x88: {  	s2 =	sld [smem:$0x3FD9]  }
0x89: {  	s3 =	sld [smem:$0x3FFE];
	_ =	sdelay $0x1  }
0x8a: {  	s1 =	srdreg.scid  }
0x8b: {  	s0 =	sand.u32 $0x1, s1  }
0x8c: {  	s17 =	sshll.u32 s0, $0xA;
	s2 =	sadd.s32 s3, s2  }
0x8d: {  	s2 =	sadd.s32 s2, s17  }
0x8e: {  	[smem:$0x3FBA] =	sst s2  }
0x8f: {  	_ = 	snop  }
0x90: {  	s2 =	sld [smem:$0x3FD0];
	(tm) =	ssettm $0x1  }
0x91: {  	s18 =	sld [smem:$0x3FFB];
	_ =	sdelay $0x3  }
0x92: {  	_ =	strace s18  }
0x93: {  	s3 =	sld [smem:$0x3FFC];
	_ =	sdelay $0x3  }
0x94: {  	_ =	strace s3  }
0x95: {  	s3 =	sld [smem:$0x3FFD];
	_ =	sdelay $0x3  }
0x96: {  	_ =	strace s3  }
0x97: {  	_ =	strace $0x8FFFFFFF  }
0x98: {  	s19 =	sld [smem:$0x3FDB];
	_ =	sdelay $0x1  }
0x99: {  	s4 =	simm.s32 $_scs_section_size  }
0x9a: {  	s5 =	simm.s32 $_size__tile_overlayer_lowered;
	s6 =	simm.s32 $_tile_overlayer_lowered  }
0x9b: {  	s22 =	simm.s32 $0x1BFF;
	s21 =	sshll.u32 s6, $0x1;
	s3 =	sadd.s32 s4, s19  }
0x9c: {  	s7 =	simm.s32 $0x0;
	s20 =	sshll.u32 s5, $0x1;
	s5 =	sadd.s32 s21, s3  }
0x9d: {  	[timem:s7], [sflag:s22] =	dma.local [hbm:s5], s20  }
0x9e: {  	_ =	swait.ge [sflag:s22], s20  }
0x9f: {  	s4 =	ssub.s32 $0x0, s20;
	[sflag:s22] =	ssyncset.done $0x0  }
0xa0: {  	[sflag:s22] =	ssyncadd.s32 s4;
	_ =	sdelay $0x1  }
0xa1: {  	s23 =	simm.s32 $0x1B8B  }
0xa2: {  	_ =	swait.ge [sflag:s23], $0x1  }
0xa3: {  	[sflag:s23] =	ssyncset.done $0x0  }
0xa4: {  	s25 =	simm.s32 $0x1B8E;
	s24 =	sld [smem:$0x3FFE];
	[sflag:s23] =	ssyncadd.s32 $0xFFFFFFFF  }
0xa5: {  	s26 =	simm.s32 $execute0_lowered;
	[smem:$0x3FD2] =	sst s25  }
0xa6: {  	s5 =	sshll.u32 s26, $0x1;
	_ =	strace $0x80000046;
	[dreg:$0x1] =	wrdreg $0xFFFFFFFF  }
0xa7: {  	s28 =	simm.s32 $_size_execute0_lowered;
	s3 =	sadd.s32 s3, s5;
	[dreg:$0x0] =	wrdreg $0x0  }
0xa8: {  	s5 =	sshll.u32 s28, $0x1;
	[dreg:$0x2] =	wrdreg s3  }
0xa9: {  	[dreg:$0x3] =	wrdreg s5  }
0xaa: {  	[dreg:$0x4] =	wrdreg $0xC0  }
0xab: {  	_ =	task [dreg:s7], $0x5FFFF  }
0xac: {  	[dreg:$0x1] =	wrdreg $0xFFFFFFFF  }
0xad: {  	[dreg:$0x0] =	wrdreg $0x60  }
0xae: {  	[dreg:$0x2] =	wrdreg s24  }
0xaf: {  	[dreg:$0x3] =	wrdreg s2  }
0xb0: {  	[dreg:$0x4] =	wrdreg $0x14F000  }
0xb1: {  	[dreg:$0x5] =	wrdreg $0x9  }
0xb2: {  	_ =	task.clear_ibuf [dreg:s7], $0x6FFFF;
	_ =	strace $0x90000046  }
0xb3: {  	s29 =	simm.s32 $0x9;
	_ =	strace $0x80000048  }
0xb4: {  	_ =	swait.ge [sflag:s29], $0x1  }
0xb5: {  	[sflag:s29] =	ssyncadd.s32 $0xFFFFFFFF  }
0xb6: {  	_ =	strace $0x90000048  }
0xb7: {  	_ =	sfence  }
0xb8: {  	s30 =	sld [smem:$0x0];
	_ =	sdelay $0x2  }
0xb9: {  	s31 =	sshll.u32 s1, $0xD;
	s1 =	sshrl.u32 s1, $0x2  }
0xba: {  	s3 =	sand.u32 $0x4000, s31;
	s1 =	sadd.s32 s1, s30  }
0xbb: {  	s0 =	sor.u32 s3, s0;
	s1 =	sshll.u32 s1, $0x11  }
0xbc: {  	s0 =	sor.u32 s1, s0  }
0xbd: {  	s0 =	sadd.s32 $0x8F2B, s0  }
0xbe: {  	[sflag:s0] =	ssyncadd.remote.s32 $0x1  }
0xbf: {  	_ =	sfence.sel $0xFFFF  }
0xc0: {  	[dreg:$0x0] =	wrdreg $0xFFFFFFFF;
	(pc) =	sbr.abs _section_cstart, $3  }
0xc1: {  	[dreg:$0x1] =	wrdreg $0xFFFFFFFF  }
0xc2: {  	_ =	task.clear_ibuf [dreg:s7], $0x2FFFF;
	_ =	strace $0x9FFFFFFF  }
0xc3: {  	(tm) =	ssettm $0x7FFFFFFF  }
tec
execute0_lowered:
.L_overlay_start_1:
0x0: {  	(tag) =	ssettag $0x1  }
0x1: {  	s0 =	rddreg [dreg:$0x0]  }
0x2: {  	s1 =	rddreg [dreg:$0x1];
	s3 =	srdreg.scid  }
0x3: {  	s9 =	stileid.u32;
	s2 =	rddreg [dreg:$0x2];
	s15 =	simm.s32 $0x4F00  }
0x4: {  	s29 =	simm.s32 $0xEF00;
	s30 =	simm.s32 $0x1;
	s31 =	simm.s32 $0x2  }
0x5: {  	s5 =	sand.u32 $0x1, s3;
	s4 =	smul.u32 $0x14000, s9;
	s3 =	simm.s32 $0x0  }
0x6: {  	s6 =	sshll.u32 s5, $0x6;
	[smem:$0x7FF] =	sst s3;
	s16 =	ssub.s32 $0x2, s5  }
0x7: {  	s5 =	sshll.u32 s5, $0x4;
	s6 =	sor.u32 s6, s4;
	_ =	strace $0x80000047  }
0x8: {  	s4 =	sadd.s32 $0x2600, s0;
	s7 =	sshrl.u32 s16, $0x1;
	s8 =	sor.u32 s9, s5  }
0x9: {  	s9 =	smul.u32 $0x28000, s9;
	s5 =	simm.s32 $0x4F;
	s6 =	sshrl.u32 s6, $0x3  }
0xa: {  	s7 =	ssub.s32 s16, s7;
	p0 =	sgt.u32 s8, $0x1B;
	s17 =	smul.u32 $0x4E, s8  }
0xb: {  	s8 =	smax.u32 s8, $0x1C;
	s5 =	simm.s32 @!p0 $0x4E;
	s28 =	smax.u32 s7, $0x1  }
0xc: {  	s16 =	simm.s32 $0x11;
	s18 =	sadd.s32 $0xFFFFFFF8, s5;
	[dreg:$0x13] =	wrdreg s28  }
0xd: {  	s0 =	sadd.s32 s6, s0;
	s19 =	sadd.s32 $0xFFFFFFF7, s5;
	[dreg:$0x4] =	wrdreg s18  }
0xe: {  	s9 =	sshrl.u32 s9, $0x2;
	s21 =	sadd.s32 $0xFFFFFFF6, s5;
	[dreg:$0x5] =	wrdreg s19  }
0xf: {  	s8 =	sadd.s32 s17, s8;
	s23 =	sadd.s32 $0xFFFFFFF5, s5;
	[dreg:$0x6] =	wrdreg s21  }
0x10: {  	s6 =	sadd.s32 s9, s2;
	s24 =	sadd.s32 $0xFFFFFFF4, s5;
	[dreg:$0x7] =	wrdreg s23  }
0x11: {  	s26 =	sadd.s32 $0xFFFFFFF3, s5;
	s0 =	sadd.s32 $0x29800, s0;
	[dreg:$0x8] =	wrdreg s24  }
0x12: {  	s8 =	sshll.u32 s8, $0x4;
	s9 =	sadd.s32 $0x2000, s6;
	[dreg:$0x9] =	wrdreg s26  }
0x13: {  	s10 =	sadd.s32 $0x4000, s6;
	s20 =	sadd.s32 $0x6000, s6;
	[dreg:$0x12] =	wrdreg s0  }
0x14: {  	s22 =	sadd.s32 $0x8000, s6;
	s18 =	simm.s32 $0x80;
	[dreg:$0xb] =	wrdreg s6  }
0x15: {  	s24 =	simm.s32 $0xAF00;
	s26 =	simm.s32 $0xCF00;
	[dreg:$0xc] =	wrdreg s9  }
0x16: {  	s19 =	simm.s32 $0x4;
	s21 =	simm.s32 $0x5;
	[dreg:$0xd] =	wrdreg s10  }
0x17: {  	s23 =	simm.s32 $0x6;
	[dreg:$0xe] =	wrdreg s20;
	s1 =	sadd.s32 s1, s8  }
0x18: {  	[dreg:$0xf] =	wrdreg s22;
	s9 =	simm.s32 $0x2780;
	s25 =	sadd.s32 $0xFFFFFE40, s1  }
0x19: {  	s20 =	simm.s32 $0x6F00;
	s1 =	sadd.s32 $0x9A80, s1;
	[dreg:$0x10] =	wrdreg s25  }
0x1a: {  	v0 =	vimm.f32 $0.0e+00;
	s22 =	simm.s32 $0x8F00;
	[dreg:$0x11] =	wrdreg s1;
	s1 =	simm.s32 $0x3  }
.LBB2_1:
0x1b: {  	s7 =	simm.s32 $0x100;
	s0 =	simm.s32 $0x0  }
.LBB2_2:
0x1c: {  	p0 =	sne.s32 s7, $0x7F00;
	[tilespmem:s0+$0x4F30] =	vst v0;
	s8 =	smov.u32 s7;
	s7 =	sadd.s32 $0x100, s7  }
.Ltmp0:
0x1d: {  	[tilespmem:s0+$0x4F20] =	vst v0;
	(pc) =	sbr.rel @p0 .LBB2_2-.Ltmp0, $3  }
0x1e: {  	[tilespmem:s0+$0x4F00] =	vst v0  }
0x1f: {  	[tilespmem:s0+$0x4F10] =	vst v0;
	_ =	sdelay $0x1  }
0x20: {  	s0 =	sshra.s32 s8, $0x2  }
0x21: {  	[tilespmem:s0+$0x4F30] =	vst v0  }
0x22: {  	[tilespmem:s0+$0x4F20] =	vst v0  }
0x23: {  	[tilespmem:s0+$0x4F00] =	vst v0  }
0x24: {  	[tilespmem:s0+$0x4F10] =	vst v0  }
0x25: {  	[spmem:s6] =	stream.linear.scatter [tilespmem:s15], [sflag:$0x11], $0x2000, $0x38;
	[tilespmem:$0x1EF00] =	vst v63  }
0x26: {  	_ =	swait.ge [sflag:s16], $0x2000  }
0x27: {  	[sflag:s16] =	ssyncset.done $0x0  }
0x28: {  	s11 =	rddreg [dreg:$0xc];
	[sflag:s16] =	ssyncadd.s32 $0xFFFFE000  }
0x29: {  	[spmem:s11] =	stream.linear.scatter [tilespmem:s15], [sflag:$0x11], $0x2000, $0x38;
	[tilespmem:$0x1EF00] =	vst v63  }
0x2a: {  	_ =	swait.ge [sflag:s16], $0x2000  }
0x2b: {  	[sflag:s16] =	ssyncset.done $0x0  }
0x2c: {  	s12 =	rddreg [dreg:$0xd];
	[sflag:s16] =	ssyncadd.s32 $0xFFFFE000  }
0x2d: {  	[spmem:s12] =	stream.linear.scatter [tilespmem:s15], [sflag:$0x11], $0x2000, $0x38;
	[tilespmem:$0x1EF00] =	vst v63  }
0x2e: {  	_ =	swait.ge [sflag:s16], $0x2000  }
0x2f: {  	[sflag:s16] =	ssyncset.done $0x0  }
0x30: {  	s13 =	rddreg [dreg:$0xe];
	[sflag:s16] =	ssyncadd.s32 $0xFFFFE000  }
0x31: {  	[spmem:s13] =	stream.linear.scatter [tilespmem:s15], [sflag:$0x11], $0x2000, $0x38;
	[tilespmem:$0x1EF00] =	vst v63  }
0x32: {  	_ =	swait.ge [sflag:s16], $0x2000  }
0x33: {  	[sflag:s16] =	ssyncset.done $0x0  }
0x34: {  	s14 =	rddreg [dreg:$0xf];
	[sflag:s16] =	ssyncadd.s32 $0xFFFFE000  }
0x35: {  	[spmem:s14] =	stream.linear.scatter [tilespmem:s15], [sflag:$0x11], $0x2000, $0x38;
	[tilespmem:$0x1EF00] =	vst v63  }
0x36: {  	_ =	swait.ge [sflag:s16], $0x2000  }
0x37: {  	[sflag:s16] =	ssyncset.done $0x0  }
0x38: {  	s17 =	simm.s32 $0x0;
	s25 =	rddreg [dreg:$0x10];
	[sflag:s16] =	ssyncadd.s32 $0xFFFFE000  }
0x39: {  	[tilespmem:s17], [sflag:$0x11] =	stream.linear.gather [hbm4b:s25+s17], $0x2780, $0x38;
	[tilespmem:$0x1EF00] =	vst v63  }
0x3a: {  	_ =	swait.ge [sflag:s16], $0x2780  }
0x3b: {  	[sflag:s16] =	ssyncset.done $0x0  }
0x3c: {  	s28 =	rddreg [dreg:$0x11];
	[sflag:s16] =	ssyncadd.s32 $0xFFFFD880  }
0x3d: {  	[tilespmem:s9], [sflag:$0x11] =	stream.linear.gather [hbm4b:s28+s17], $0x2780, $0x38;
	[tilespmem:$0x1EF00] =	vst v63  }
0x3e: {  	_ =	swait.ge [sflag:s16], $0x2780  }
0x3f: {  	[sflag:s16] =	ssyncset.done $0x0  }
0x40: {  	s0 =	simm.s32 $0x0;
	[sflag:s16] =	ssyncadd.s32 $0xFFFFD880  }
0x41: {  	v3 =	vld [tilespmem:s0+$0x2780]  }
0x42: {  	v5 =	vld [tilespmem:s0+$0x2790]  }
0x43: {  	v4 =	vld [tilespmem:s0+$0x27A0]  }
0x44: {  	v2 =	vld [tilespmem:s0+$0x27B0]  }
0x45: {  	v1 =	vld [tilespmem:s0+$0x27C0]  }
0x46: {  	v6 =	vshll.u32 v3, $0x1;
	v3 =	vld [tilespmem:s0+$0x27D0]  }
0x47: {  	s7 =	simm.s32 $0x200;
	[tilespmem:s0+$0x2780] =	vst v6;
	v6 =	vshll.u32 v5, $0x1;
	v5 =	vld [tilespmem:s0+$0x27E0]  }
.LBB2_4:
0x48: {  	s8 =	sshra.s32 s7, $0x2;
	p0 =	sne.s32 s7, $0x9C00;
	[tilespmem:s0+$0x2790] =	vst v6;
	v4 =	vshll.u32 v4, $0x1;
	v6 =	vld [tilespmem:s0+$0x27F0]  }
0x49: {  	v7 =	vld [tilespmem:s8+$0x2780];
	[tilespmem:s0+$0x27A0] =	vst v4;
	v2 =	vshll.u32 v2, $0x1  }
0x4a: {  	v8 =	vld [tilespmem:s8+$0x2790];
	[tilespmem:s0+$0x27B0] =	vst v2;
	v1 =	vshll.u32 v1, $0x1  }
.Ltmp1:
0x4b: {  	v4 =	vld [tilespmem:s8+$0x27A0];
	[tilespmem:s0+$0x27C0] =	vst v1;
	v1 =	vshll.u32 v3, $0x1;
	(pc) =	sbr.rel @p0 .LBB2_4-.Ltmp1, $4  }
0x4c: {  	v2 =	vld [tilespmem:s8+$0x27B0];
	[tilespmem:s0+$0x27D0] =	vst v1;
	v3 =	vshll.u32 v5, $0x1  }
0x4d: {  	v1 =	vld [tilespmem:s8+$0x27C0];
	[tilespmem:s0+$0x27E0] =	vst v3;
	v5 =	vshll.u32 v6, $0x1  }
0x4e: {  	v6 =	vshll.u32 v7, $0x1;
	v3 =	vld [tilespmem:s8+$0x27D0];
	[tilespmem:s0+$0x27F0] =	vst v5;
	s0 =	smov.u32 s8  }
0x4f: {  	s7 =	sadd.s32 $0x200, s7;
	[tilespmem:s0+$0x2780] =	vst v6;
	v6 =	vshll.u32 v8, $0x1;
	v5 =	vld [tilespmem:s0+$0x27E0]  }
0x50: {  	[tilespmem:s0+$0x2790] =	vst v6;
	v4 =	vshll.u32 v4, $0x1;
	v63 =	vld [tilespmem:s0+$0x27F0]  }
0x51: {  	[tilespmem:s0+$0x27A0] =	vst v4;
	v2 =	vshll.u32 v2, $0x1  }
0x52: {  	[tilespmem:s0+$0x27B0] =	vst v2;
	v1 =	vshll.u32 v1, $0x1  }
0x53: {  	[tilespmem:s0+$0x27C0] =	vst v1;
	v1 =	vshll.u32 v3, $0x1  }
0x54: {  	[tilespmem:s0+$0x27D0] =	vst v1;
	v1 =	vshll.u32 v5, $0x1  }
0x55: {  	[tilespmem:s0+$0x27E0] =	vst v1;
	v1 =	vshll.u32 v63, $0x1  }
0x56: {  	[dreg:$0xa] =	wrdreg s3;
	[tilespmem:s0+$0x27F0] =	vst v1  }
0x57: {  	[bflag:$0x0] =	sbarrier.arrive $0xFFFF  }
0x58: {  	[tilespmem:s15], [sflag:$0x1] =	stream.indirect.gather [hbm4b:s4+s18], $0x40, s9, s18, $0xb8;
	[tilespmem:$0x1EF00] =	vst v63  }
0x59: {  	s9 =	simm.s32 $0x2800  }
0x5a: {  	[tilespmem:s20], [sflag:$0x2] =	stream.indirect.gather [hbm4b:s4+s18], $0x40, s9, s18, $0xb8;
	[tilespmem:$0x1EF00] =	vst v63  }
0x5b: {  	s10 =	simm.s32 $0x2880  }
0x5c: {  	[tilespmem:s22], [sflag:$0x3] =	stream.indirect.gather [hbm4b:s4+s18], $0x40, s10, s18, $0xb8;
	[tilespmem:$0x1EF00] =	vst v63  }
0x5d: {  	s11 =	simm.s32 $0x2900  }
0x5e: {  	[tilespmem:s24], [sflag:$0x4] =	stream.indirect.gather [hbm4b:s4+s18], $0x40, s11, s18, $0xb8;
	[tilespmem:$0x1EF00] =	vst v63  }
0x5f: {  	s12 =	simm.s32 $0x2980  }
0x60: {  	[tilespmem:s26], [sflag:$0x5] =	stream.indirect.gather [hbm4b:s4+s18], $0x40, s12, s18, $0xb8;
	[tilespmem:$0x1EF00] =	vst v63  }
0x61: {  	s13 =	simm.s32 $0x2A00;
	p1 =	por $0x1, $0x1  }
0x62: {  	[tilespmem:s29], [sflag:$0x6] =	stream.indirect.gather [hbm4b:s4+s18], $0x40, s13, s18, $0xb8;
	[tilespmem:$0x1EF00] =	vst v63  }
0x63: {  	p0 =	sle.u32 @!p1 s5, $0x6;
	_ =	swait.ge [sflag:s30], $0x2000  }
0x64: {  	p2 =	por p0, p1;
	[sflag:s30] =	ssyncset.done $0x0  }
0x65: {  	s14 =	simm.s32 $0x0;
	s7 =	simm.s32 @!p2 $0xF;
	[sflag:s30] =	ssyncadd.s32 $0xFFFFE000  }
0x66: {  	[spmem:s2] =	stream.indirect.scatter.add.f32 [tilespmem:s15], [sflag:$0x9], $0x40, s14, s18, $0xb8;
	[tilespmem:$0x1EF00] =	vst v63  }
0x67: {  	p0 =	sle.u32 s5, $0x6;
	_ =	swait.ge @!p2 [sflag:s7], $0x2000  }
0x68: {  	s8 =	simm.s32 @!p0 $0x10F00;
	[sflag:s7] =	ssyncset.done @!p2 $0x0  }
0x69: {  	s0 =	simm.s32 @!p0 $0x80;
	s9 =	simm.s32 @!p0 $0x2A80;
	[sflag:s7] =	ssyncadd.s32 @!p2 $0xFFFFE000  }
0x6a: {  	[tilespmem:s8], [sflag:$0x7] =	stream.indirect.gather @!p0 [hbm4b:s4+s0], $0x40, s9, s0, $0xb8;
	[tilespmem:$0x1EF00] =	vst v63  }
0x6b: {  	p2 =	sle.u32 @!p1 s5, $0x7;
	_ =	swait.ge [sflag:s31], $0x2000  }
0x6c: {  	p2 =	por p2, p1;
	[sflag:s31] =	ssyncset.done $0x0  }
0x6d: {  	s17 =	simm.s32 $0x80;
	s12 =	simm.s32 @!p2 $0x10;
	[sflag:s31] =	ssyncadd.s32 $0xFFFFE000  }
0x6e: {  	[spmem:s2] =	stream.indirect.scatter.add.f32 [tilespmem:s20], [sflag:$0xA], $0x40, s17, s18, $0xb8;
	[tilespmem:$0x1EF00] =	vst v63  }
0x6f: {  	p1 =	sle.u32 s5, $0x7;
	_ =	swait.ge @!p2 [sflag:s12], $0x2000  }
0x70: {  	s7 =	simm.s32 @!p1 $0x12F00;
	[sflag:s12] =	ssyncset.done @!p2 $0x0  }
0x71: {  	s13 =	simm.s32 @!p1 $0x2B00;
	s9 =	simm.s32 @!p1 $0x80;
	[sflag:s12] =	ssyncadd.s32 @!p2 $0xFFFFE000  }
0x72: {  	[tilespmem:s7], [sflag:$0x8] =	stream.indirect.gather @!p1 [hbm4b:s4+s9], $0x40, s13, s9, $0xb8;
	[tilespmem:$0x1EF00] =	vst v63  }
0x73: {  	_ =	swait.ge [sflag:s1], $0x2000  }
0x74: {  	[sflag:s1] =	ssyncset.done $0x0;
	s25 =	rddreg [dreg:$0x4]  }
0x75: {  	s28 =	simm.s32 $0x100;
	[sflag:s1] =	ssyncadd.s32 $0xFFFFE000;
	p2 =	sle.u32 s25, $0x0  }
0x76: {  	[spmem:s2] =	stream.indirect.scatter.add.f32 [tilespmem:s22], [sflag:$0xB], $0x40, s28, s18, $0xb8;
	[tilespmem:$0x1EF00] =	vst v63  }
0x77: {  	s12 =	simm.s32 @!p2 $0x9  }
0x78: {  	_ =	swait.ge @!p2 [sflag:s12], $0x2000  }
0x79: {  	s13 =	simm.s32 @!p2 $0x2B80;
	[sflag:s12] =	ssyncset.done @!p2 $0x0  }
0x7a: {  	s14 =	simm.s32 @!p2 $0x80;
	[sflag:s12] =	ssyncadd.s32 @!p2 $0xFFFFE000;
	s12 =	simm.s32 @!p2 $0x4F00  }
0x7b: {  	[tilespmem:s12], [sflag:$0x1] =	stream.indirect.gather @!p2 [hbm4b:s4+s14], $0x40, s13, s14, $0xb8;
	[tilespmem:$0x1EF00] =	vst v63  }
0x7c: {  	_ =	swait.ge [sflag:s19], $0x2000  }
0x7d: {  	[sflag:s19] =	ssyncset.done $0x0;
	s3 =	rddreg [dreg:$0x5]  }
0x7e: {  	s6 =	simm.s32 $0x180;
	[sflag:s19] =	ssyncadd.s32 $0xFFFFE000;
	p2 =	sle.u32 s3, $0x0  }
0x7f: {  	[spmem:s2] =	stream.indirect.scatter.add.f32 [tilespmem:s24], [sflag:$0xC], $0x40, s6, s18, $0xb8;
	[tilespmem:$0x1EF00] =	vst v63  }
0x80: {  	s12 =	simm.s32 @!p2 $0xA  }
0x81: {  	_ =	swait.ge @!p2 [sflag:s12], $0x2000  }
0x82: {  	s13 =	simm.s32 @!p2 $0x2C00;
	[sflag:s12] =	ssyncset.done @!p2 $0x0  }
0x83: {  	s14 =	simm.s32 @!p2 $0x80;
	[sflag:s12] =	ssyncadd.s32 @!p2 $0xFFFFE000;
	s12 =	simm.s32 @!p2 $0x6F00  }
0x84: {  	[tilespmem:s12], [sflag:$0x2] =	stream.indirect.gather @!p2 [hbm4b:s4+s14], $0x40, s13, s14, $0xb8;
	[tilespmem:$0x1EF00] =	vst v63  }
0x85: {  	_ =	swait.ge [sflag:s21], $0x2000  }
0x86: {  	[sflag:s21] =	ssyncset.done $0x0;
	s10 =	rddreg [dreg:$0x6]  }
0x87: {  	s11 =	simm.s32 $0x200;
	[sflag:s21] =	ssyncadd.s32 $0xFFFFE000;
	p2 =	sle.u32 s10, $0x0  }
0x88: {  	[spmem:s2] =	stream.indirect.scatter.add.f32 [tilespmem:s26], [sflag:$0xD], $0x40, s11, s18, $0xb8;
	[tilespmem:$0x1EF00] =	vst v63  }
0x89: {  	s12 =	simm.s32 @!p2 $0xB  }
0x8a: {  	_ =	swait.ge @!p2 [sflag:s12], $0x2000  }
0x8b: {  	s13 =	simm.s32 @!p2 $0x2C80;
	[sflag:s12] =	ssyncset.done @!p2 $0x0  }
0x8c: {  	s14 =	simm.s32 @!p2 $0x80;
	[sflag:s12] =	ssyncadd.s32 @!p2 $0xFFFFE000;
	s12 =	simm.s32 @!p2 $0x8F00  }
0x8d: {  	[tilespmem:s12], [sflag:$0x3] =	stream.indirect.gather @!p2 [hbm4b:s4+s14], $0x40, s13, s14, $0xb8;
	[tilespmem:$0x1EF00] =	vst v63  }
0x8e: {  	_ =	swait.ge [sflag:s23], $0x2000  }
0x8f: {  	[sflag:s23] =	ssyncset.done $0x0;
	s14 =	rddreg [dreg:$0x7]  }
0x90: {  	s17 =	simm.s32 $0x280;
	[sflag:s23] =	ssyncadd.s32 $0xFFFFE000;
	p2 =	sle.u32 s14, $0x0  }
0x91: {  	[spmem:s2] =	stream.indirect.scatter.add.f32 [tilespmem:s29], [sflag:$0xE], $0x40, s17, s18, $0xb8;
	[tilespmem:$0x1EF00] =	vst v63  }
0x92: {  	s12 =	simm.s32 @!p2 $0xC  }
0x93: {  	_ =	swait.ge @!p2 [sflag:s12], $0x2000  }
0x94: {  	s13 =	simm.s32 @!p2 $0x2D00;
	[sflag:s12] =	ssyncset.done @!p2 $0x0  }
0x95: {  	s14 =	simm.s32 @!p2 $0x80;
	[sflag:s12] =	ssyncadd.s32 @!p2 $0xFFFFE000;
	s12 =	simm.s32 @!p2 $0xAF00  }
0x96: {  	[tilespmem:s12], [sflag:$0x4] =	stream.indirect.gather @!p2 [hbm4b:s4+s14], $0x40, s13, s14, $0xb8;
	[tilespmem:$0x1EF00] =	vst v63  }
0x97: {  	s12 =	simm.s32 @!p0 $0x7  }
0x98: {  	_ =	swait.ge @!p0 [sflag:s12], $0x2000  }
0x99: {  	[sflag:s12] =	ssyncset.done @!p0 $0x0  }
0x9a: {  	s25 =	rddreg [dreg:$0x8];
	[sflag:s12] =	ssyncadd.s32 @!p0 $0xFFFFE000;
	s12 =	simm.s32 @!p0 $0x300  }
0x9b: {  	[spmem:s2] =	stream.indirect.scatter.add.f32 @!p0 [tilespmem:s8], [sflag:$0xF], $0x40, s12, s0, $0xb8;
	[tilespmem:$0x1EF00] =	vst v63  }
0x9c: {  	p0 =	sle.u32 s25, $0x0  }
0x9d: {  	s0 =	simm.s32 @!p0 $0xD  }
0x9e: {  	_ =	swait.ge @!p0 [sflag:s0], $0x2000  }
0x9f: {  	s8 =	simm.s32 @!p0 $0x2D80;
	s12 =	simm.s32 @!p0 $0x80;
	[sflag:s0] =	ssyncset.done @!p0 $0x0  }
0xa0: {  	s13 =	simm.s32 @!p0 $0xCF00;
	[sflag:s0] =	ssyncadd.s32 @!p0 $0xFFFFE000;
	s0 =	simm.s32 @!p1 $0x8  }
0xa1: {  	[tilespmem:s13], [sflag:$0x5] =	stream.indirect.gather @!p0 [hbm4b:s4+s12], $0x40, s8, s12, $0xb8;
	[tilespmem:$0x1EF00] =	vst v63  }
0xa2: {  	_ =	swait.ge @!p1 [sflag:s0], $0x2000  }
0xa3: {  	[sflag:s0] =	ssyncset.done @!p1 $0x0  }
0xa4: {  	s12 =	simm.s32 @!p1 $0x380;
	s28 =	rddreg [dreg:$0x9];
	[sflag:s0] =	ssyncadd.s32 @!p1 $0xFFFFE000  }
0xa5: {  	[spmem:s2] =	stream.indirect.scatter.add.f32 @!p1 [tilespmem:s7], [sflag:$0x10], $0x40, s12, s9, $0xb8;
	[tilespmem:$0x1EF00] =	vst v63  }
0xa6: {  	p1 =	sle.u32 s28, $0x0  }
0xa7: {  	s17 =	simm.s32 $0x1000;
	s0 =	simm.s32 @!p1 $0xE  }
0xa8: {  	s12 =	simm.s32 $0x8;
	s7 =	simm.s32 @!p1 $0x2E00;
	_ =	swait.ge @!p1 [sflag:s0], $0x2000  }
0xa9: {  	s8 =	simm.s32 @!p1 $0x80;
	s9 =	simm.s32 @!p1 $0xEF00;
	[sflag:s0] =	ssyncset.done @!p1 $0x0  }
.LBB2_6:
0xaa: {  	[sflag:s0] =	ssyncadd.s32 @!p1 $0xFFFFE000;
	s13 =	smov.u32 s17  }
0xab: {  	[tilespmem:s9], [sflag:$0x6] =	stream.indirect.gather @!p1 [hbm4b:s4+s8], $0x40, s7, s8, $0xb8;
	[tilespmem:$0x1EF00] =	vst v63  }
0xac: {  	s0 =	sadd.s32 $0x6, s12;
	p1 =	seq.s32 s13, $0x0  }
0xad: {  	_ =	swait.ge [sflag:s30], $0x2000;
	p0 =	sge.u32 @!p1 s0, s5  }
0xae: {  	[sflag:s30] =	ssyncset.done $0x0;
	p4 =	por p0, p1  }
0xaf: {  	s9 =	sshra.s32 s13, $0x2;
	[sflag:s30] =	ssyncadd.s32 $0xFFFFE000;
	s7 =	simm.s32 @!p4 $0xF  }
0xb0: {  	[spmem:s2] =	stream.indirect.scatter.add.f32 [tilespmem:s15], [sflag:$0x9], $0x40, s9, s18, $0xb8;
	[tilespmem:$0x1EF00] =	vst v63  }
0xb1: {  	s14 =	sadd.s32 $0x7, s12;
	p2 =	sge.u32 s0, s5;
	_ =	swait.ge @!p4 [sflag:s7], $0x2000  }
0xb2: {  	s8 =	sshra.s32 @!p2 s13, $0x2;
	s25 =	simm.s32 @!p2 $0x80;
	[sflag:s7] =	ssyncset.done @!p4 $0x0  }
0xb3: {  	s0 =	simm.s32 @!p2 $0x10F00;
	s28 =	sadd.s32 @!p2 $0x2A80, s8;
	[sflag:s7] =	ssyncadd.s32 @!p4 $0xFFFFE000  }
0xb4: {  	[tilespmem:s0], [sflag:$0x7] =	stream.indirect.gather @!p2 [hbm4b:s4+s25], $0x40, s28, s25, $0xb8;
	[tilespmem:$0x1EF00] =	vst v63  }
0xb5: {  	p3 =	sge.u32 @!p1 s14, s5;
	_ =	swait.ge [sflag:s31], $0x2000  }
0xb6: {  	p3 =	por p3, p1;
	[sflag:s31] =	ssyncset.done $0x0  }
0xb7: {  	s6 =	sadd.s32 $0x80, s9;
	s10 =	simm.s32 @!p3 $0x10;
	[sflag:s31] =	ssyncadd.s32 $0xFFFFE000  }
0xb8: {  	[spmem:s2] =	stream.indirect.scatter.add.f32 [tilespmem:s20], [sflag:$0xA], $0x40, s6, s18, $0xb8;
	[tilespmem:$0x1EF00] =	vst v63  }
0xb9: {  	p1 =	sge.u32 s14, s5;
	_ =	swait.ge @!p3 [sflag:s10], $0x2000  }
0xba: {  	s14 =	simm.s32 @!p1 $0x12F00;
	s7 =	sshra.s32 @!p1 s13, $0x2;
	[sflag:s10] =	ssyncset.done @!p3 $0x0  }
0xbb: {  	s28 =	simm.s32 @!p1 $0x80;
	s6 =	sadd.s32 @!p1 $0x2B00, s7;
	[sflag:s10] =	ssyncadd.s32 @!p3 $0xFFFFE000  }
0xbc: {  	[tilespmem:s14], [sflag:$0x8] =	stream.indirect.gather @!p1 [hbm4b:s4+s28], $0x40, s6, s28, $0xb8;
	[tilespmem:$0x1EF00] =	vst v63  }
0xbd: {  	_ =	swait.ge [sflag:s1], $0x2000  }
0xbe: {  	[sflag:s1] =	ssyncset.done $0x0;
	s11 =	rddreg [dreg:$0x4]  }
0xbf: {  	s3 =	sadd.s32 $0x100, s9;
	[sflag:s1] =	ssyncadd.s32 $0xFFFFE000;
	p3 =	sge.u32 s12, s11  }
0xc0: {  	[spmem:s2] =	stream.indirect.scatter.add.f32 [tilespmem:s22], [sflag:$0xB], $0x40, s3, s18, $0xb8;
	[tilespmem:$0x1EF00] =	vst v63  }
0xc1: {  	s6 =	simm.s32 @!p3 $0x9  }
0xc2: {  	_ =	swait.ge @!p3 [sflag:s6], $0x2000  }
0xc3: {  	s10 =	sshra.s32 @!p3 s13, $0x2;
	s11 =	simm.s32 @!p3 $0x80;
	[sflag:s6] =	ssyncset.done @!p3 $0x0  }
0xc4: {  	s3 =	simm.s32 @!p3 $0x4F00;
	s10 =	sadd.s32 @!p3 $0x2B80, s10;
	[sflag:s6] =	ssyncadd.s32 @!p3 $0xFFFFE000  }
0xc5: {  	[tilespmem:s3], [sflag:$0x1] =	stream.indirect.gather @!p3 [hbm4b:s4+s11], $0x40, s10, s11, $0xb8;
	[tilespmem:$0x1EF00] =	vst v63  }
0xc6: {  	_ =	swait.ge [sflag:s19], $0x2000  }
0xc7: {  	[sflag:s19] =	ssyncset.done $0x0;
	s11 =	rddreg [dreg:$0x5]  }
0xc8: {  	s10 =	sadd.s32 $0x180, s9;
	[sflag:s19] =	ssyncadd.s32 $0xFFFFE000;
	p3 =	sge.u32 s12, s11  }
0xc9: {  	[spmem:s2] =	stream.indirect.scatter.add.f32 [tilespmem:s24], [sflag:$0xC], $0x40, s10, s18, $0xb8;
	[tilespmem:$0x1EF00] =	vst v63  }
0xca: {  	s3 =	simm.s32 @!p3 $0xA  }
0xcb: {  	_ =	swait.ge @!p3 [sflag:s3], $0x2000  }
0xcc: {  	s6 =	sshra.s32 @!p3 s13, $0x2;
	s10 =	simm.s32 @!p3 $0x80;
	[sflag:s3] =	ssyncset.done @!p3 $0x0  }
0xcd: {  	s11 =	simm.s32 @!p3 $0x6F00;
	s6 =	sadd.s32 @!p3 $0x2C00, s6;
	[sflag:s3] =	ssyncadd.s32 @!p3 $0xFFFFE000  }
0xce: {  	[tilespmem:s11], [sflag:$0x2] =	stream.indirect.gather @!p3 [hbm4b:s4+s10], $0x40, s6, s10, $0xb8;
	[tilespmem:$0x1EF00] =	vst v63  }
0xcf: {  	_ =	swait.ge [sflag:s21], $0x2000  }
0xd0: {  	[sflag:s21] =	ssyncset.done $0x0;
	s11 =	rddreg [dreg:$0x6]  }
0xd1: {  	s10 =	sadd.s32 $0x200, s9;
	[sflag:s21] =	ssyncadd.s32 $0xFFFFE000;
	p3 =	sge.u32 s12, s11  }
0xd2: {  	[spmem:s2] =	stream.indirect.scatter.add.f32 [tilespmem:s26], [sflag:$0xD], $0x40, s10, s18, $0xb8;
	[tilespmem:$0x1EF00] =	vst v63  }
0xd3: {  	s3 =	simm.s32 @!p3 $0xB  }
0xd4: {  	_ =	swait.ge @!p3 [sflag:s3], $0x2000  }
0xd5: {  	s6 =	sshra.s32 @!p3 s13, $0x2;
	s10 =	simm.s32 @!p3 $0x80;
	[sflag:s3] =	ssyncset.done @!p3 $0x0  }
0xd6: {  	s11 =	simm.s32 @!p3 $0x8F00;
	s6 =	sadd.s32 @!p3 $0x2C80, s6;
	[sflag:s3] =	ssyncadd.s32 @!p3 $0xFFFFE000  }
0xd7: {  	[tilespmem:s11], [sflag:$0x3] =	stream.indirect.gather @!p3 [hbm4b:s4+s10], $0x40, s6, s10, $0xb8;
	[tilespmem:$0x1EF00] =	vst v63  }
0xd8: {  	_ =	swait.ge [sflag:s23], $0x2000  }
0xd9: {  	[sflag:s23] =	ssyncset.done $0x0;
	s11 =	rddreg [dreg:$0x7]  }
0xda: {  	s10 =	sadd.s32 $0x280, s9;
	[sflag:s23] =	ssyncadd.s32 $0xFFFFE000;
	p3 =	sge.u32 s12, s11  }
0xdb: {  	[spmem:s2] =	stream.indirect.scatter.add.f32 [tilespmem:s29], [sflag:$0xE], $0x40, s10, s18, $0xb8;
	[tilespmem:$0x1EF00] =	vst v63  }
0xdc: {  	s3 =	simm.s32 @!p3 $0xC  }
0xdd: {  	s6 =	sshra.s32 @!p3 s13, $0x2;
	_ =	swait.ge @!p3 [sflag:s3], $0x2000  }
0xde: {  	s9 =	simm.s32 @!p3 $0x80;
	s10 =	simm.s32 @!p3 $0xAF00;
	[sflag:s3] =	ssyncset.done @!p3 $0x0  }
0xdf: {  	s6 =	sadd.s32 @!p3 $0x2D00, s6;
	[sflag:s3] =	ssyncadd.s32 @!p3 $0xFFFFE000;
	s3 =	simm.s32 @!p2 $0x7  }
0xe0: {  	[tilespmem:s10], [sflag:$0x4] =	stream.indirect.gather @!p3 [hbm4b:s4+s9], $0x40, s6, s9, $0xb8;
	[tilespmem:$0x1EF00] =	vst v63  }
0xe1: {  	_ =	swait.ge @!p2 [sflag:s3], $0x2000  }
0xe2: {  	[sflag:s3] =	ssyncset.done @!p2 $0x0  }
0xe3: {  	s8 =	sadd.s32 @!p2 $0x300, s8;
	s11 =	rddreg [dreg:$0x8];
	[sflag:s3] =	ssyncadd.s32 @!p2 $0xFFFFE000  }
0xe4: {  	[spmem:s2] =	stream.indirect.scatter.add.f32 @!p2 [tilespmem:s0], [sflag:$0xF], $0x40, s8, s25, $0xb8;
	[tilespmem:$0x1EF00] =	vst v63  }
0xe5: {  	p2 =	sge.u32 s12, s11  }
0xe6: {  	s0 =	simm.s32 @!p2 $0xD  }
0xe7: {  	s3 =	sshra.s32 @!p2 s13, $0x2;
	_ =	swait.ge @!p2 [sflag:s0], $0x2000  }
0xe8: {  	s6 =	simm.s32 @!p2 $0x80;
	s8 =	simm.s32 @!p2 $0xCF00;
	[sflag:s0] =	ssyncset.done @!p2 $0x0  }
0xe9: {  	s3 =	sadd.s32 @!p2 $0x2D80, s3;
	[sflag:s0] =	ssyncadd.s32 @!p2 $0xFFFFE000;
	s0 =	simm.s32 @!p1 $0x8  }
0xea: {  	[tilespmem:s8], [sflag:$0x5] =	stream.indirect.gather @!p2 [hbm4b:s4+s6], $0x40, s3, s6, $0xb8;
	[tilespmem:$0x1EF00] =	vst v63  }
0xeb: {  	_ =	swait.ge @!p1 [sflag:s0], $0x2000  }
0xec: {  	s17 =	sadd.s32 $0x1000, s17;
	[sflag:s0] =	ssyncset.done @!p1 $0x0  }
0xed: {  	p0 =	sne.s32 s17, $0xA000;
	s7 =	sadd.s32 @!p1 $0x380, s7;
	[sflag:s0] =	ssyncadd.s32 @!p1 $0xFFFFE000  }
0xee: {  	[spmem:s2] =	stream.indirect.scatter.add.f32 @!p1 [tilespmem:s14], [sflag:$0x10], $0x40, s7, s28, $0xb8;
	[tilespmem:$0x1EF00] =	vst v63  }
.Ltmp2:
0xef: {  	s25 =	rddreg [dreg:$0x9];
	(pc) =	sbr.rel @p0 .LBB2_6-.Ltmp2, $4  }
0xf0: {  	p1 =	sge.u32 s12, s25  }
0xf1: {  	s12 =	sadd.s32 $0x8, s12;
	s0 =	simm.s32 @!p1 $0xE  }
0xf2: {  	s3 =	sshra.s32 @!p1 s13, $0x2;
	s8 =	simm.s32 @!p1 $0x80;
	_ =	swait.ge @!p1 [sflag:s0], $0x2000  }
0xf3: {  	s9 =	simm.s32 @!p1 $0xEF00;
	s7 =	sadd.s32 @!p1 $0x2E00, s3;
	[sflag:s0] =	ssyncset.done @!p1 $0x0  }
0xf4: {  	[sflag:s0] =	ssyncadd.s32 @!p1 $0xFFFFE000;
	s3 =	simm.s32 $0x9  }
0xf5: {  	[tilespmem:s9], [sflag:$0x6] =	stream.indirect.gather @!p1 [hbm4b:s4+s8], $0x40, s7, s8, $0xb8;
	[tilespmem:$0x1EF00] =	vst v63  }
0xf6: {  	_ =	swait.ge [sflag:s3], $0x2000  }
0xf7: {  	[sflag:s3] =	ssyncset.done $0x0  }
0xf8: {  	s6 =	simm.s32 $0xA;
	[sflag:s3] =	ssyncadd.s32 $0xFFFFE000  }
0xf9: {  	_ =	swait.ge [sflag:s6], $0x2000  }
0xfa: {  	[sflag:s6] =	ssyncset.done $0x0  }
0xfb: {  	s7 =	simm.s32 $0xB;
	[sflag:s6] =	ssyncadd.s32 $0xFFFFE000  }
0xfc: {  	_ =	swait.ge [sflag:s7], $0x2000  }
0xfd: {  	[sflag:s7] =	ssyncset.done $0x0  }
0xfe: {  	s8 =	simm.s32 $0xC;
	[sflag:s7] =	ssyncadd.s32 $0xFFFFE000  }
0xff: {  	_ =	swait.ge [sflag:s8], $0x2000  }
0x100: {  	[sflag:s8] =	ssyncset.done $0x0  }
0x101: {  	s9 =	simm.s32 $0xD;
	[sflag:s8] =	ssyncadd.s32 $0xFFFFE000  }
0x102: {  	_ =	swait.ge [sflag:s9], $0x2000  }
0x103: {  	[sflag:s9] =	ssyncset.done $0x0  }
0x104: {  	s10 =	simm.s32 $0xE;
	[sflag:s9] =	ssyncadd.s32 $0xFFFFE000  }
0x105: {  	_ =	swait.ge [sflag:s10], $0x2000  }
0x106: {  	[sflag:s10] =	ssyncset.done $0x0  }
0x107: {  	s11 =	simm.s32 $0xF;
	[sflag:s10] =	ssyncadd.s32 $0xFFFFE000  }
0x108: {  	_ =	swait.ge [sflag:s11], $0x2000  }
0x109: {  	[sflag:s11] =	ssyncset.done $0x0  }
0x10a: {  	s12 =	simm.s32 $0x10;
	[sflag:s11] =	ssyncadd.s32 $0xFFFFE000  }
0x10b: {  	_ =	swait.ge [sflag:s12], $0x2000  }
0x10c: {  	[sflag:s12] =	ssyncset.done $0x0  }
0x10d: {  	[sflag:s12] =	ssyncadd.s32 $0xFFFFE000  }
0x10e: {  	s13 =	stileid.u32;
	[bflag:$0x0] =	sbarrier.arrive $0xFFFF  }
0x10f: {  	s17 =	simm.s32 $0x8;
	s0 =	sshll.u32 s13, $0x6;
	s6 =	rddreg [dreg:$0xb]  }
0x110: {  	s0 =	sor.u32 $0x1C11, s0;
	s14 =	rddreg [dreg:$0x12];
	s3 =	sshrl.u32 s6, $0x3  }
0x111: {  	[hbm:s14@s12], [sflag:s0] =	dma.strided [spmem:s3@s17], $0x1400, s30, $0x8   }
0x112: {  	_ =	swait.ge [sflag:s16], $0x1400  }
0x113: {  	s25 =	rddreg [dreg:$0xa]  }
0x114: {  	s28 =	rddreg [dreg:$0x13];
	s3 =	sadd.s32 $0x1, s25  }
0x115: {  	p0 =	sne.s32 s3, s28  }
.Ltmp3:
0x116: {  	_ = 	snop;
	(pc) =	sbr.rel @p0 .LBB2_1-.Ltmp3, $3  }
0x117: {  	_ =	sdelay $0x1  }
0x118: {  	[sflag:s16] =	ssyncset.done $0x0  }
0x119: {  	s9 =	simm.s32 $0x2780;
	[sflag:s16] =	ssyncadd.s32 $0xFFFFEC00  }
0x11a: {  	_ =	sfence.sel $0x180000  }
0x11b: {  	[bflag:$0x0] =	sbarrier.arrive $0xFFFF  }
0x11c: {  	_ =	strace $0x90000047  }
0x11d: {  	s0 =	stileid.u32;
	[bflag:$0x2] =	sbarrier.arrive $0xFFFF  }
0x11e: {  	p0 =	sne.s32 s0, $0x0;
	s0 =	rddreg [dreg:$0x3]  }
0x11f: {  	s0 =	sadd.s32 @!p0 $0x100000, s0  }
0x120: {  	[sflag:s0] =	ssyncadd.tile.s32 @!p0 $0x1;
	_ =	shalt  }
.Lfunc_end2:
_tile_overlayer_lowered:
.L_overlay_start_2:
0x121: {  	(tag) =	ssettag $0x2  }
0x122: {  	s0 =	rddreg [dreg:$0x0];
	s2 =	stileid.u32  }
0x123: {  	s1 =	rddreg [dreg:$0x1];
	p0 =	sne.s32 s2, $0x0  }
0x124: {  	s3 =	rddreg [dreg:$0x2];
	[bflag:$0x3] =	sbarrier.arrive $0xFFFF;
	s2 =	simm.s32 @!p0 $0x1C11  }
0x125: {  	[timem:s3], [sflag:s2] =	dma.local @!p0 [hbm:s0], s1  }
0x126: {  	s0 =	simm.s32 @!p0 $0x11  }
0x127: {  	_ =	swait.ge @!p0 [sflag:s0], s1  }
0x128: {  	s1 =	ssub.s32 @!p0 $0x0, s1;
	[sflag:s0] =	ssyncset.done @!p0 $0x0  }
0x129: {  	[sflag:s0] =	ssyncadd.s32 @!p0 s1  }
0x12a: {  	[bflag:$0x3] =	sbarrier.arrive $0xFFFF  }
0x12b: {  	_ =	shalt  }

</sc_bundles>
